<compile_context>
chip_gen: v7x
topology: tpu7x:2x2x1
jax: 0.10.2.dev20260603
libtpu: 0.0.44.dev20260713+nightly
codegen_flags: <defaults>
</compile_context>

<pallas_src>
import functools

import jax
import jax.numpy as jnp
from jax import lax
from jax.experimental import pallas as pl
from jax.experimental.pallas import tpu as pltpu
from jax.experimental.pallas import tpu_sc as plsc

_N_MODELS = 1000
_CAP = 64
_EMB = 512
_HALF = 256
_BATCH = 16384

_info = plsc.get_sparse_core_info()
_NC = _info.num_cores
_NS = _info.num_subcores
_NW = _NC * _NS
_CH = 32
_RPW = _BATCH // _NW
_NCHUNK = _RPW // _CH
_NBUF = 7


def _table_body(idt, cap_t, w1, b1, w2, b2, fw1, fb1, fw2, fb2, out):
    h = jnp.maximum(
        lax.dot_general(cap_t[...], w1[...], (((0,), (0,)), ((), ())),
                        preferred_element_type=jnp.float32) + b1[...],
        0.0,
    )
    cap_emb = jnp.dot(h, w2[...], preferred_element_type=jnp.float32) + b2[...]
    me = jnp.concatenate([idt[...], cap_emb], axis=1)
    h2 = jnp.maximum(
        jnp.dot(me, fw1[...], preferred_element_type=jnp.float32) + fb1[...],
        0.0,
    )
    out[...] = jnp.dot(h2, fw2[...], preferred_element_type=jnp.float32) + fb2[...]


def _build_table(id_table, cap_vecs, w1, b1, w2, b2, fw1, fb1, fw2, fb2):
    return pl.pallas_call(
        _table_body,
        out_shape=jax.ShapeDtypeStruct((_N_MODELS, _EMB), jnp.float32),
    )(id_table, cap_vecs, w1, b1, w2, b2, fw1, fb1, fw2, fb2)


@functools.partial(
    pl.kernel,
    out_type=jax.ShapeDtypeStruct((_BATCH, _EMB), jnp.float32),
    mesh=plsc.VectorSubcoreMesh(core_axis_name="c", subcore_axis_name="s"),
    scratch_types=(
        [pltpu.VMEM((_RPW,), jnp.int32)]
        + [pltpu.VMEM((_CH, _EMB), jnp.float32) for _ in range(_NBUF)]
        + [pltpu.SemaphoreType.DMA for _ in range(2 * _NBUF + 2)]
    ),
)
def _sc_gather(table_hbm, idx_hbm, out_hbm, idx_v, *bufs_and_sems):
    bufs = bufs_and_sems[:_NBUF]
    gsems = bufs_and_sems[_NBUF:2 * _NBUF]
    osems = bufs_and_sems[2 * _NBUF:3 * _NBUF]
    isems = bufs_and_sems[3 * _NBUF:]
    wid = lax.axis_index("s") * _NC + lax.axis_index("c")
    base = wid * _RPW
    half = _RPW // 2
    i1 = pltpu.async_copy(idx_hbm.at[pl.ds(base, half)],
                          idx_v.at[pl.ds(0, half)], isems[0])
    i2 = pltpu.async_copy(idx_hbm.at[pl.ds(base + half, half)],
                          idx_v.at[pl.ds(half, half)], isems[1])
    i1.wait()

    def _gather(c):
        return pltpu.async_copy(
            table_hbm.at[idx_v.at[pl.ds(c * _CH, _CH)]], bufs[c % _NBUF],
            gsems[c % _NBUF])

    g = [None] * _NCHUNK
    o = [None] * _NCHUNK
    for c in range(min(_NBUF, _NCHUNK)):
        g[c] = _gather(c)
    for c in range(_NCHUNK):
        b = c % _NBUF
        g[c].wait()
        o[c] = pltpu.async_copy(
            bufs[b], out_hbm.at[pl.ds(base + c * _CH, _CH)], osems[b])
        n = c + 5
        if _NBUF <= n < _NCHUNK:
            if n == _NCHUNK // 2:
                i2.wait()
            o[n - _NBUF].wait()
            g[n] = _gather(n)
    for c in range(max(_NCHUNK - _NBUF, 0), _NCHUNK):
        o[c].wait()


def kernel(model_indices, id_table, capability_vectors, cp_w1, cp_b1, cp_w2,
           cp_b2, fp_w1, fp_b1, fp_w2, fp_b2):
    table = _build_table(
        id_table, capability_vectors.T,
        cp_w1, cp_b1.reshape(1, _HALF), cp_w2, cp_b2.reshape(1, _HALF),
        fp_w1, fp_b1.reshape(1, _EMB), fp_w2, fp_b2.reshape(1, _EMB),
    )
    idx = model_indices
    if idx.dtype != jnp.int32:
        idx = idx.astype(jnp.int32)
    return _sc_gather(table, idx)

# --- scband reference (transcript-rebuilt; emitter-appended) ---
"""Pipeline reference for scband-model-capability-profiling-4166118277616 (READ-ONLY COPY).

The authoritative reference and input builder live on the scoring server;
editing this copy changes nothing except your own understanding.
"""

import jax, jax.numpy as jnp
import numpy as np

NUM_MODELS = 1000
CAP_DIM = 64
EMB_DIM = 512
HALF = EMB_DIM // 2
BATCH = 16384


def setup_inputs(seed: int = 0) -> dict:
    key = jax.random.key(seed)
    ks = jax.random.split(key, 12)
    model_indices = jax.random.randint(ks[0], (BATCH,), 0, NUM_MODELS, dtype=jnp.int64 if jax.config.jax_enable_x64 else jnp.int32)
    id_table = jax.random.normal(ks[1], (NUM_MODELS, HALF), dtype=jnp.float32) * 0.02
    capability_vectors = jax.random.normal(ks[2], (NUM_MODELS, CAP_DIM), dtype=jnp.float32)
    # capability_proj: Linear(cap_dim -> half), ReLU, Linear(half -> half)
    cp_w1 = jax.random.normal(ks[3], (CAP_DIM, HALF), dtype=jnp.float32) * (1.0 / np.sqrt(CAP_DIM))
    cp_b1 = jnp.zeros((HALF,), dtype=jnp.float32)
    cp_w2 = jax.random.normal(ks[4], (HALF, HALF), dtype=jnp.float32) * (1.0 / np.sqrt(HALF))
    cp_b2 = jnp.zeros((HALF,), dtype=jnp.float32)
    # final_proj: Linear(emb -> emb), ReLU, Linear(emb -> emb)
    fp_w1 = jax.random.normal(ks[5], (EMB_DIM, EMB_DIM), dtype=jnp.float32) * (1.0 / np.sqrt(EMB_DIM))
    fp_b1 = jnp.zeros((EMB_DIM,), dtype=jnp.float32)
    fp_w2 = jax.random.normal(ks[6], (EMB_DIM, EMB_DIM), dtype=jnp.float32) * (1.0 / np.sqrt(EMB_DIM))
    fp_b2 = jnp.zeros((EMB_DIM,), dtype=jnp.float32)
    return {
        "model_indices": model_indices,
        "id_table": id_table,
        "capability_vectors": capability_vectors,
        "cp_w1": cp_w1, "cp_b1": cp_b1, "cp_w2": cp_w2, "cp_b2": cp_b2,
        "fp_w1": fp_w1, "fp_b1": fp_b1, "fp_w2": fp_w2, "fp_b2": fp_b2,
    }


def reference(model_indices, id_table, capability_vectors, cp_w1, cp_b1, cp_w2, cp_b2, fp_w1, fp_b1, fp_w2, fp_b2):
    # embedding lookup for model-id embedding
    id_emb = jnp.take(id_table, model_indices, axis=0)
    # gather capability vectors
    cap_vecs = jnp.take(capability_vectors, model_indices, axis=0)
    # capability projection MLP (dropout is identity in eval)
    h = jnp.maximum(cap_vecs @ cp_w1 + cp_b1, 0.0)
    cap_emb = h @ cp_w2 + cp_b2
    # concat and final projection MLP
    model_emb = jnp.concatenate([id_emb, cap_emb], axis=1)
    h2 = jnp.maximum(model_emb @ fp_w1 + fp_b1, 0.0)
    out = h2 @ fp_w2 + fp_b2
    return out

if __name__ == "__main__":
    import jax
    _d = setup_inputs()
    print(jax.jit(kernel)(*tuple(_d.values())))

</pallas_src>

<mosaic_0001>
#map = affine_map<(d0, d1) -> (0, 0)>
#map1 = affine_map<(d0, d1) -> (0)>
module attributes {stable_mosaic.version = 14 : i64} {
  func.func @_sc_gather(%arg0: i32, %arg1: i32, %arg2: memref<1000x512xf32, #tpu.memory_space<hbm>>, %arg3: memref<16384xi32, #tpu.memory_space<hbm>>, %arg4: memref<16384x512xf32, #tpu.memory_space<hbm>>, %arg5: memref<512xi32, #tpu.memory_space<vmem>>, %arg6: memref<32x512xf32, #tpu.memory_space<vmem>>, %arg7: memref<32x512xf32, #tpu.memory_space<vmem>>, %arg8: memref<32x512xf32, #tpu.memory_space<vmem>>, %arg9: memref<32x512xf32, #tpu.memory_space<vmem>>, %arg10: memref<32x512xf32, #tpu.memory_space<vmem>>, %arg11: memref<32x512xf32, #tpu.memory_space<vmem>>, %arg12: memref<32x512xf32, #tpu.memory_space<vmem>>, %arg13: memref<!tpu.dma_semaphore, #tpu.memory_space<semaphore_mem>>, %arg14: memref<!tpu.dma_semaphore, #tpu.memory_space<semaphore_mem>>, %arg15: memref<!tpu.dma_semaphore, #tpu.memory_space<semaphore_mem>>, %arg16: memref<!tpu.dma_semaphore, #tpu.memory_space<semaphore_mem>>, %arg17: memref<!tpu.dma_semaphore, #tpu.memory_space<semaphore_mem>>, %arg18: memref<!tpu.dma_semaphore, #tpu.memory_space<semaphore_mem>>, %arg19: memref<!tpu.dma_semaphore, #tpu.memory_space<semaphore_mem>>, %arg20: memref<!tpu.dma_semaphore, #tpu.memory_space<semaphore_mem>>, %arg21: memref<!tpu.dma_semaphore, #tpu.memory_space<semaphore_mem>>, %arg22: memref<!tpu.dma_semaphore, #tpu.memory_space<semaphore_mem>>, %arg23: memref<!tpu.dma_semaphore, #tpu.memory_space<semaphore_mem>>, %arg24: memref<!tpu.dma_semaphore, #tpu.memory_space<semaphore_mem>>, %arg25: memref<!tpu.dma_semaphore, #tpu.memory_space<semaphore_mem>>, %arg26: memref<!tpu.dma_semaphore, #tpu.memory_space<semaphore_mem>>, %arg27: memref<!tpu.dma_semaphore, #tpu.memory_space<semaphore_mem>>, %arg28: memref<!tpu.dma_semaphore, #tpu.memory_space<semaphore_mem>>) attributes {dimension_semantics = [#tpu.dimension_semantics<core_parallel>, #tpu.dimension_semantics<subcore_parallel>], iteration_bounds = array<i64: 2, 16>, scalar_prefetch = 0 : i64, scratch_operands = 24 : i64, tpu.core_type = #tpu.core_type<sc_vector_subcore>, window_params = [{transform_indices = #map}, {transform_indices = #map1}, {transform_indices = #map}]} {
    %mul3A = arith.constant 2 : i32
    %mul3A_0 = arith.muli %arg1, %mul3A : i32
    %add3A = arith.addi %mul3A_0, %arg0 : i32
    %mul3A_1 = arith.constant 512 : i32
    %mul3A_2 = arith.muli %add3A, %mul3A_1 : i32
    %dma_start3A = arith.constant 0 : i32
    %dma_start3A_3 = tpu.memref_slice %arg5[%dma_start3A] : memref<512xi32, #tpu.memory_space<vmem>> -> memref<256xi32, #tpu.memory_space<vmem>>
    %dma_start3A_4 = tpu.memref_slice %arg3[%mul3A_2] : memref<16384xi32, #tpu.memory_space<hbm>> -> memref<256xi32, #tpu.memory_space<hbm>>
    %dma_start3A_5 = arith.constant 0 : i32
    %dma_start3A_6 = tpu.memref_slice %arg5[%dma_start3A_5] : memref<512xi32, #tpu.memory_space<vmem>> -> memref<256xi32, #tpu.memory_space<vmem>>
    %dma_start3A_7 = tpu.memref_slice %arg3[%mul3A_2] : memref<16384xi32, #tpu.memory_space<hbm>> -> memref<256xi32, #tpu.memory_space<hbm>>
    tpu.enqueue_dma source(%dma_start3A_7 : memref<256xi32, #tpu.memory_space<hbm>>) target(%dma_start3A_6 : memref<256xi32, #tpu.memory_space<vmem>>) target_semaphore(%arg27 : memref<!tpu.dma_semaphore, #tpu.memory_space<semaphore_mem>>)
    %add3A_8 = arith.constant 256 : i32
    %add3A_9 = arith.addi %mul3A_2, %add3A_8 : i32
    %dma_start3A_10 = arith.constant 256 : i32
    %dma_start3A_11 = tpu.memref_slice %arg5[%dma_start3A_10] : memref<512xi32, #tpu.memory_space<vmem>> -> memref<256xi32, #tpu.memory_space<vmem>>
    %dma_start3A_12 = tpu.memref_slice %arg3[%add3A_9] : memref<16384xi32, #tpu.memory_space<hbm>> -> memref<256xi32, #tpu.memory_space<hbm>>
    %dma_start3A_13 = arith.constant 256 : i32
    %dma_start3A_14 = tpu.memref_slice %arg5[%dma_start3A_13] : memref<512xi32, #tpu.memory_space<vmem>> -> memref<256xi32, #tpu.memory_space<vmem>>
    %dma_start3A_15 = tpu.memref_slice %arg3[%add3A_9] : memref<16384xi32, #tpu.memory_space<hbm>> -> memref<256xi32, #tpu.memory_space<hbm>>
    tpu.enqueue_dma source(%dma_start3A_15 : memref<256xi32, #tpu.memory_space<hbm>>) target(%dma_start3A_14 : memref<256xi32, #tpu.memory_space<vmem>>) target_semaphore(%arg28 : memref<!tpu.dma_semaphore, #tpu.memory_space<semaphore_mem>>)
    %dma_wait3A = arith.constant 0 : i32
    %dma_wait3A_16 = tpu.memref_slice %arg5[%dma_wait3A] : memref<512xi32, #tpu.memory_space<vmem>> -> memref<256xi32, #tpu.memory_space<vmem>>
    %dma_wait3A_17 = tpu.memref_slice %arg3[%mul3A_2] : memref<16384xi32, #tpu.memory_space<hbm>> -> memref<256xi32, #tpu.memory_space<hbm>>
    %dma_wait3A_18 = arith.constant 0 : i32
    %dma_wait3A_19 = tpu.memref_slice %arg5[%dma_wait3A_18] : memref<512xi32, #tpu.memory_space<vmem>> -> memref<256xi32, #tpu.memory_space<vmem>>
    %dma_wait3A_20 = tpu.memref_slice %arg3[%mul3A_2] : memref<16384xi32, #tpu.memory_space<hbm>> -> memref<256xi32, #tpu.memory_space<hbm>>
    tpu.wait_dma2 semaphore(%arg27 : memref<!tpu.dma_semaphore, #tpu.memory_space<semaphore_mem>>) src(%dma_wait3A_20 : memref<256xi32, #tpu.memory_space<hbm>>) dst(%dma_wait3A_19 : memref<256xi32, #tpu.memory_space<vmem>>)
    %dma_start3A_21 = arith.constant 0 : i32
    %dma_start3A_22 = tpu.memref_slice %arg5[%dma_start3A_21] : memref<512xi32, #tpu.memory_space<vmem>> -> memref<32xi32, #tpu.memory_space<vmem>>
    %dma_start3A_23 = arith.constant 0 : i32
    %dma_start3A_24 = arith.constant 0 : i32
    %dma_start3A_25 = tpu.memref_slice %arg2[%dma_start3A_23, %dma_start3A_24] : memref<1000x512xf32, #tpu.memory_space<hbm>> -> memref<1000x512xf32, #tpu.memory_space<hbm>>
    tpu.enqueue_indirect_dma source(%dma_start3A_25 : memref<1000x512xf32, #tpu.memory_space<hbm>>) target(%arg6 : memref<32x512xf32, #tpu.memory_space<vmem>>) offsets(%dma_start3A_22 : memref<32xi32, #tpu.memory_space<vmem>>) semaphore(%arg13 : memref<!tpu.dma_semaphore, #tpu.memory_space<semaphore_mem>>)
    %dma_start3A_26 = arith.constant 32 : i32
    %dma_start3A_27 = tpu.memref_slice %arg5[%dma_start3A_26] : memref<512xi32, #tpu.memory_space<vmem>> -> memref<32xi32, #tpu.memory_space<vmem>>
    %dma_start3A_28 = arith.constant 0 : i32
    %dma_start3A_29 = arith.constant 0 : i32
    %dma_start3A_30 = tpu.memref_slice %arg2[%dma_start3A_28, %dma_start3A_29] : memref<1000x512xf32, #tpu.memory_space<hbm>> -> memref<1000x512xf32, #tpu.memory_space<hbm>>
    tpu.enqueue_indirect_dma source(%dma_start3A_30 : memref<1000x512xf32, #tpu.memory_space<hbm>>) target(%arg7 : memref<32x512xf32, #tpu.memory_space<vmem>>) offsets(%dma_start3A_27 : memref<32xi32, #tpu.memory_space<vmem>>) semaphore(%arg14 : memref<!tpu.dma_semaphore, #tpu.memory_space<semaphore_mem>>)
    %dma_start3A_31 = arith.constant 64 : i32
    %dma_start3A_32 = tpu.memref_slice %arg5[%dma_start3A_31] : memref<512xi32, #tpu.memory_space<vmem>> -> memref<32xi32, #tpu.memory_space<vmem>>
    %dma_start3A_33 = arith.constant 0 : i32
    %dma_start3A_34 = arith.constant 0 : i32
    %dma_start3A_35 = tpu.memref_slice %arg2[%dma_start3A_33, %dma_start3A_34] : memref<1000x512xf32, #tpu.memory_space<hbm>> -> memref<1000x512xf32, #tpu.memory_space<hbm>>
    tpu.enqueue_indirect_dma source(%dma_start3A_35 : memref<1000x512xf32, #tpu.memory_space<hbm>>) target(%arg8 : memref<32x512xf32, #tpu.memory_space<vmem>>) offsets(%dma_start3A_32 : memref<32xi32, #tpu.memory_space<vmem>>) semaphore(%arg15 : memref<!tpu.dma_semaphore, #tpu.memory_space<semaphore_mem>>)
    %dma_start3A_36 = arith.constant 96 : i32
    %dma_start3A_37 = tpu.memref_slice %arg5[%dma_start3A_36] : memref<512xi32, #tpu.memory_space<vmem>> -> memref<32xi32, #tpu.memory_space<vmem>>
    %dma_start3A_38 = arith.constant 0 : i32
    %dma_start3A_39 = arith.constant 0 : i32
    %dma_start3A_40 = tpu.memref_slice %arg2[%dma_start3A_38, %dma_start3A_39] : memref<1000x512xf32, #tpu.memory_space<hbm>> -> memref<1000x512xf32, #tpu.memory_space<hbm>>
    tpu.enqueue_indirect_dma source(%dma_start3A_40 : memref<1000x512xf32, #tpu.memory_space<hbm>>) target(%arg9 : memref<32x512xf32, #tpu.memory_space<vmem>>) offsets(%dma_start3A_37 : memref<32xi32, #tpu.memory_space<vmem>>) semaphore(%arg16 : memref<!tpu.dma_semaphore, #tpu.memory_space<semaphore_mem>>)
    %dma_start3A_41 = arith.constant 128 : i32
    %dma_start3A_42 = tpu.memref_slice %arg5[%dma_start3A_41] : memref<512xi32, #tpu.memory_space<vmem>> -> memref<32xi32, #tpu.memory_space<vmem>>
    %dma_start3A_43 = arith.constant 0 : i32
    %dma_start3A_44 = arith.constant 0 : i32
    %dma_start3A_45 = tpu.memref_slice %arg2[%dma_start3A_43, %dma_start3A_44] : memref<1000x512xf32, #tpu.memory_space<hbm>> -> memref<1000x512xf32, #tpu.memory_space<hbm>>
    tpu.enqueue_indirect_dma source(%dma_start3A_45 : memref<1000x512xf32, #tpu.memory_space<hbm>>) target(%arg10 : memref<32x512xf32, #tpu.memory_space<vmem>>) offsets(%dma_start3A_42 : memref<32xi32, #tpu.memory_space<vmem>>) semaphore(%arg17 : memref<!tpu.dma_semaphore, #tpu.memory_space<semaphore_mem>>)
    %dma_start3A_46 = arith.constant 160 : i32
    %dma_start3A_47 = tpu.memref_slice %arg5[%dma_start3A_46] : memref<512xi32, #tpu.memory_space<vmem>> -> memref<32xi32, #tpu.memory_space<vmem>>
    %dma_start3A_48 = arith.constant 0 : i32
    %dma_start3A_49 = arith.constant 0 : i32
    %dma_start3A_50 = tpu.memref_slice %arg2[%dma_start3A_48, %dma_start3A_49] : memref<1000x512xf32, #tpu.memory_space<hbm>> -> memref<1000x512xf32, #tpu.memory_space<hbm>>
    tpu.enqueue_indirect_dma source(%dma_start3A_50 : memref<1000x512xf32, #tpu.memory_space<hbm>>) target(%arg11 : memref<32x512xf32, #tpu.memory_space<vmem>>) offsets(%dma_start3A_47 : memref<32xi32, #tpu.memory_space<vmem>>) semaphore(%arg18 : memref<!tpu.dma_semaphore, #tpu.memory_space<semaphore_mem>>)
    %dma_start3A_51 = arith.constant 192 : i32
    %dma_start3A_52 = tpu.memref_slice %arg5[%dma_start3A_51] : memref<512xi32, #tpu.memory_space<vmem>> -> memref<32xi32, #tpu.memory_space<vmem>>
    %dma_start3A_53 = arith.constant 0 : i32
    %dma_start3A_54 = arith.constant 0 : i32
    %dma_start3A_55 = tpu.memref_slice %arg2[%dma_start3A_53, %dma_start3A_54] : memref<1000x512xf32, #tpu.memory_space<hbm>> -> memref<1000x512xf32, #tpu.memory_space<hbm>>
    tpu.enqueue_indirect_dma source(%dma_start3A_55 : memref<1000x512xf32, #tpu.memory_space<hbm>>) target(%arg12 : memref<32x512xf32, #tpu.memory_space<vmem>>) offsets(%dma_start3A_52 : memref<32xi32, #tpu.memory_space<vmem>>) semaphore(%arg19 : memref<!tpu.dma_semaphore, #tpu.memory_space<semaphore_mem>>)
    %dma_wait3A_56 = arith.constant 0 : i32
    %dma_wait3A_57 = tpu.memref_slice %arg5[%dma_wait3A_56] : memref<512xi32, #tpu.memory_space<vmem>> -> memref<32xi32, #tpu.memory_space<vmem>>
    %dma_wait3A_58 = arith.constant 0 : i32
    %dma_wait3A_59 = arith.constant 0 : i32
    %dma_wait3A_60 = tpu.memref_slice %arg2[%dma_wait3A_58, %dma_wait3A_59] : memref<1000x512xf32, #tpu.memory_space<hbm>> -> memref<1000x512xf32, #tpu.memory_space<hbm>>
    tpu.wait_indirect_dma semaphore(%arg13 : memref<!tpu.dma_semaphore, #tpu.memory_space<semaphore_mem>>) src(%dma_wait3A_60 : memref<1000x512xf32, #tpu.memory_space<hbm>>) dst(%arg6 : memref<32x512xf32, #tpu.memory_space<vmem>>)
    %add3A_61 = arith.constant 0 : i32
    %add3A_62 = arith.addi %mul3A_2, %add3A_61 : i32
    %dma_start3A_63 = arith.constant 0 : i32
    %dma_start3A_64 = tpu.memref_slice %arg4[%add3A_62, %dma_start3A_63] : memref<16384x512xf32, #tpu.memory_space<hbm>> -> memref<32x512xf32, #tpu.memory_space<hbm>>
    %dma_start3A_65 = arith.constant 0 : i32
    %dma_start3A_66 = tpu.memref_slice %arg4[%add3A_62, %dma_start3A_65] : memref<16384x512xf32, #tpu.memory_space<hbm>> -> memref<32x512xf32, #tpu.memory_space<hbm>>
    tpu.enqueue_dma source(%arg6 : memref<32x512xf32, #tpu.memory_space<vmem>>) target(%dma_start3A_66 : memref<32x512xf32, #tpu.memory_space<hbm>>) target_semaphore(%arg20 : memref<!tpu.dma_semaphore, #tpu.memory_space<semaphore_mem>>)
    %dma_wait3A_67 = arith.constant 32 : i32
    %dma_wait3A_68 = tpu.memref_slice %arg5[%dma_wait3A_67] : memref<512xi32, #tpu.memory_space<vmem>> -> memref<32xi32, #tpu.memory_space<vmem>>
    %dma_wait3A_69 = arith.constant 0 : i32
    %dma_wait3A_70 = arith.constant 0 : i32
    %dma_wait3A_71 = tpu.memref_slice %arg2[%dma_wait3A_69, %dma_wait3A_70] : memref<1000x512xf32, #tpu.memory_space<hbm>> -> memref<1000x512xf32, #tpu.memory_space<hbm>>
    tpu.wait_indirect_dma semaphore(%arg14 : memref<!tpu.dma_semaphore, #tpu.memory_space<semaphore_mem>>) src(%dma_wait3A_71 : memref<1000x512xf32, #tpu.memory_space<hbm>>) dst(%arg7 : memref<32x512xf32, #tpu.memory_space<vmem>>)
    %add3A_72 = arith.constant 32 : i32
    %add3A_73 = arith.addi %mul3A_2, %add3A_72 : i32
    %dma_start3A_74 = arith.constant 0 : i32
    %dma_start3A_75 = tpu.memref_slice %arg4[%add3A_73, %dma_start3A_74] : memref<16384x512xf32, #tpu.memory_space<hbm>> -> memref<32x512xf32, #tpu.memory_space<hbm>>
    %dma_start3A_76 = arith.constant 0 : i32
    %dma_start3A_77 = tpu.memref_slice %arg4[%add3A_73, %dma_start3A_76] : memref<16384x512xf32, #tpu.memory_space<hbm>> -> memref<32x512xf32, #tpu.memory_space<hbm>>
    tpu.enqueue_dma source(%arg7 : memref<32x512xf32, #tpu.memory_space<vmem>>) target(%dma_start3A_77 : memref<32x512xf32, #tpu.memory_space<hbm>>) target_semaphore(%arg21 : memref<!tpu.dma_semaphore, #tpu.memory_space<semaphore_mem>>)
    %dma_wait3A_78 = arith.constant 64 : i32
    %dma_wait3A_79 = tpu.memref_slice %arg5[%dma_wait3A_78] : memref<512xi32, #tpu.memory_space<vmem>> -> memref<32xi32, #tpu.memory_space<vmem>>
    %dma_wait3A_80 = arith.constant 0 : i32
    %dma_wait3A_81 = arith.constant 0 : i32
    %dma_wait3A_82 = tpu.memref_slice %arg2[%dma_wait3A_80, %dma_wait3A_81] : memref<1000x512xf32, #tpu.memory_space<hbm>> -> memref<1000x512xf32, #tpu.memory_space<hbm>>
    tpu.wait_indirect_dma semaphore(%arg15 : memref<!tpu.dma_semaphore, #tpu.memory_space<semaphore_mem>>) src(%dma_wait3A_82 : memref<1000x512xf32, #tpu.memory_space<hbm>>) dst(%arg8 : memref<32x512xf32, #tpu.memory_space<vmem>>)
    %add3A_83 = arith.constant 64 : i32
    %add3A_84 = arith.addi %mul3A_2, %add3A_83 : i32
    %dma_start3A_85 = arith.constant 0 : i32
    %dma_start3A_86 = tpu.memref_slice %arg4[%add3A_84, %dma_start3A_85] : memref<16384x512xf32, #tpu.memory_space<hbm>> -> memref<32x512xf32, #tpu.memory_space<hbm>>
    %dma_start3A_87 = arith.constant 0 : i32
    %dma_start3A_88 = tpu.memref_slice %arg4[%add3A_84, %dma_start3A_87] : memref<16384x512xf32, #tpu.memory_space<hbm>> -> memref<32x512xf32, #tpu.memory_space<hbm>>
    tpu.enqueue_dma source(%arg8 : memref<32x512xf32, #tpu.memory_space<vmem>>) target(%dma_start3A_88 : memref<32x512xf32, #tpu.memory_space<hbm>>) target_semaphore(%arg22 : memref<!tpu.dma_semaphore, #tpu.memory_space<semaphore_mem>>)
    %dma_wait3A_89 = arith.constant 0 : i32
    %dma_wait3A_90 = tpu.memref_slice %arg4[%add3A_62, %dma_wait3A_89] : memref<16384x512xf32, #tpu.memory_space<hbm>> -> memref<32x512xf32, #tpu.memory_space<hbm>>
    %dma_wait3A_91 = arith.constant 0 : i32
    %dma_wait3A_92 = tpu.memref_slice %arg4[%add3A_62, %dma_wait3A_91] : memref<16384x512xf32, #tpu.memory_space<hbm>> -> memref<32x512xf32, #tpu.memory_space<hbm>>
    tpu.wait_dma2 semaphore(%arg20 : memref<!tpu.dma_semaphore, #tpu.memory_space<semaphore_mem>>) src(%arg6 : memref<32x512xf32, #tpu.memory_space<vmem>>) dst(%dma_wait3A_92 : memref<32x512xf32, #tpu.memory_space<hbm>>)
    %dma_start3A_93 = arith.constant 224 : i32
    %dma_start3A_94 = tpu.memref_slice %arg5[%dma_start3A_93] : memref<512xi32, #tpu.memory_space<vmem>> -> memref<32xi32, #tpu.memory_space<vmem>>
    %dma_start3A_95 = arith.constant 0 : i32
    %dma_start3A_96 = arith.constant 0 : i32
    %dma_start3A_97 = tpu.memref_slice %arg2[%dma_start3A_95, %dma_start3A_96] : memref<1000x512xf32, #tpu.memory_space<hbm>> -> memref<1000x512xf32, #tpu.memory_space<hbm>>
    tpu.enqueue_indirect_dma source(%dma_start3A_97 : memref<1000x512xf32, #tpu.memory_space<hbm>>) target(%arg6 : memref<32x512xf32, #tpu.memory_space<vmem>>) offsets(%dma_start3A_94 : memref<32xi32, #tpu.memory_space<vmem>>) semaphore(%arg13 : memref<!tpu.dma_semaphore, #tpu.memory_space<semaphore_mem>>)
    %dma_wait3A_98 = arith.constant 96 : i32
    %dma_wait3A_99 = tpu.memref_slice %arg5[%dma_wait3A_98] : memref<512xi32, #tpu.memory_space<vmem>> -> memref<32xi32, #tpu.memory_space<vmem>>
    %dma_wait3A_100 = arith.constant 0 : i32
    %dma_wait3A_101 = arith.constant 0 : i32
    %dma_wait3A_102 = tpu.memref_slice %arg2[%dma_wait3A_100, %dma_wait3A_101] : memref<1000x512xf32, #tpu.memory_space<hbm>> -> memref<1000x512xf32, #tpu.memory_space<hbm>>
    tpu.wait_indirect_dma semaphore(%arg16 : memref<!tpu.dma_semaphore, #tpu.memory_space<semaphore_mem>>) src(%dma_wait3A_102 : memref<1000x512xf32, #tpu.memory_space<hbm>>) dst(%arg9 : memref<32x512xf32, #tpu.memory_space<vmem>>)
    %add3A_103 = arith.constant 96 : i32
    %add3A_104 = arith.addi %mul3A_2, %add3A_103 : i32
    %dma_start3A_105 = arith.constant 0 : i32
    %dma_start3A_106 = tpu.memref_slice %arg4[%add3A_104, %dma_start3A_105] : memref<16384x512xf32, #tpu.memory_space<hbm>> -> memref<32x512xf32, #tpu.memory_space<hbm>>
    %dma_start3A_107 = arith.constant 0 : i32
    %dma_start3A_108 = tpu.memref_slice %arg4[%add3A_104, %dma_start3A_107] : memref<16384x512xf32, #tpu.memory_space<hbm>> -> memref<32x512xf32, #tpu.memory_space<hbm>>
    tpu.enqueue_dma source(%arg9 : memref<32x512xf32, #tpu.memory_space<vmem>>) target(%dma_start3A_108 : memref<32x512xf32, #tpu.memory_space<hbm>>) target_semaphore(%arg23 : memref<!tpu.dma_semaphore, #tpu.memory_space<semaphore_mem>>)
    %dma_wait3A_109 = arith.constant 256 : i32
    %dma_wait3A_110 = tpu.memref_slice %arg5[%dma_wait3A_109] : memref<512xi32, #tpu.memory_space<vmem>> -> memref<256xi32, #tpu.memory_space<vmem>>
    %dma_wait3A_111 = tpu.memref_slice %arg3[%add3A_9] : memref<16384xi32, #tpu.memory_space<hbm>> -> memref<256xi32, #tpu.memory_space<hbm>>
    %dma_wait3A_112 = arith.constant 256 : i32
    %dma_wait3A_113 = tpu.memref_slice %arg5[%dma_wait3A_112] : memref<512xi32, #tpu.memory_space<vmem>> -> memref<256xi32, #tpu.memory_space<vmem>>
    %dma_wait3A_114 = tpu.memref_slice %arg3[%add3A_9] : memref<16384xi32, #tpu.memory_space<hbm>> -> memref<256xi32, #tpu.memory_space<hbm>>
    tpu.wait_dma2 semaphore(%arg28 : memref<!tpu.dma_semaphore, #tpu.memory_space<semaphore_mem>>) src(%dma_wait3A_114 : memref<256xi32, #tpu.memory_space<hbm>>) dst(%dma_wait3A_113 : memref<256xi32, #tpu.memory_space<vmem>>)
    %dma_wait3A_115 = arith.constant 0 : i32
    %dma_wait3A_116 = tpu.memref_slice %arg4[%add3A_73, %dma_wait3A_115] : memref<16384x512xf32, #tpu.memory_space<hbm>> -> memref<32x512xf32, #tpu.memory_space<hbm>>
    %dma_wait3A_117 = arith.constant 0 : i32
    %dma_wait3A_118 = tpu.memref_slice %arg4[%add3A_73, %dma_wait3A_117] : memref<16384x512xf32, #tpu.memory_space<hbm>> -> memref<32x512xf32, #tpu.memory_space<hbm>>
    tpu.wait_dma2 semaphore(%arg21 : memref<!tpu.dma_semaphore, #tpu.memory_space<semaphore_mem>>) src(%arg7 : memref<32x512xf32, #tpu.memory_space<vmem>>) dst(%dma_wait3A_118 : memref<32x512xf32, #tpu.memory_space<hbm>>)
    %dma_start3A_119 = arith.constant 256 : i32
    %dma_start3A_120 = tpu.memref_slice %arg5[%dma_start3A_119] : memref<512xi32, #tpu.memory_space<vmem>> -> memref<32xi32, #tpu.memory_space<vmem>>
    %dma_start3A_121 = arith.constant 0 : i32
    %dma_start3A_122 = arith.constant 0 : i32
    %dma_start3A_123 = tpu.memref_slice %arg2[%dma_start3A_121, %dma_start3A_122] : memref<1000x512xf32, #tpu.memory_space<hbm>> -> memref<1000x512xf32, #tpu.memory_space<hbm>>
    tpu.enqueue_indirect_dma source(%dma_start3A_123 : memref<1000x512xf32, #tpu.memory_space<hbm>>) target(%arg7 : memref<32x512xf32, #tpu.memory_space<vmem>>) offsets(%dma_start3A_120 : memref<32xi32, #tpu.memory_space<vmem>>) semaphore(%arg14 : memref<!tpu.dma_semaphore, #tpu.memory_space<semaphore_mem>>)
    %dma_wait3A_124 = arith.constant 128 : i32
    %dma_wait3A_125 = tpu.memref_slice %arg5[%dma_wait3A_124] : memref<512xi32, #tpu.memory_space<vmem>> -> memref<32xi32, #tpu.memory_space<vmem>>
    %dma_wait3A_126 = arith.constant 0 : i32
    %dma_wait3A_127 = arith.constant 0 : i32
    %dma_wait3A_128 = tpu.memref_slice %arg2[%dma_wait3A_126, %dma_wait3A_127] : memref<1000x512xf32, #tpu.memory_space<hbm>> -> memref<1000x512xf32, #tpu.memory_space<hbm>>
    tpu.wait_indirect_dma semaphore(%arg17 : memref<!tpu.dma_semaphore, #tpu.memory_space<semaphore_mem>>) src(%dma_wait3A_128 : memref<1000x512xf32, #tpu.memory_space<hbm>>) dst(%arg10 : memref<32x512xf32, #tpu.memory_space<vmem>>)
    %add3A_129 = arith.constant 128 : i32
    %add3A_130 = arith.addi %mul3A_2, %add3A_129 : i32
    %dma_start3A_131 = arith.constant 0 : i32
    %dma_start3A_132 = tpu.memref_slice %arg4[%add3A_130, %dma_start3A_131] : memref<16384x512xf32, #tpu.memory_space<hbm>> -> memref<32x512xf32, #tpu.memory_space<hbm>>
    %dma_start3A_133 = arith.constant 0 : i32
    %dma_start3A_134 = tpu.memref_slice %arg4[%add3A_130, %dma_start3A_133] : memref<16384x512xf32, #tpu.memory_space<hbm>> -> memref<32x512xf32, #tpu.memory_space<hbm>>
    tpu.enqueue_dma source(%arg10 : memref<32x512xf32, #tpu.memory_space<vmem>>) target(%dma_start3A_134 : memref<32x512xf32, #tpu.memory_space<hbm>>) target_semaphore(%arg24 : memref<!tpu.dma_semaphore, #tpu.memory_space<semaphore_mem>>)
    %dma_wait3A_135 = arith.constant 0 : i32
    %dma_wait3A_136 = tpu.memref_slice %arg4[%add3A_84, %dma_wait3A_135] : memref<16384x512xf32, #tpu.memory_space<hbm>> -> memref<32x512xf32, #tpu.memory_space<hbm>>
    %dma_wait3A_137 = arith.constant 0 : i32
    %dma_wait3A_138 = tpu.memref_slice %arg4[%add3A_84, %dma_wait3A_137] : memref<16384x512xf32, #tpu.memory_space<hbm>> -> memref<32x512xf32, #tpu.memory_space<hbm>>
    tpu.wait_dma2 semaphore(%arg22 : memref<!tpu.dma_semaphore, #tpu.memory_space<semaphore_mem>>) src(%arg8 : memref<32x512xf32, #tpu.memory_space<vmem>>) dst(%dma_wait3A_138 : memref<32x512xf32, #tpu.memory_space<hbm>>)
    %dma_start3A_139 = arith.constant 288 : i32
    %dma_start3A_140 = tpu.memref_slice %arg5[%dma_start3A_139] : memref<512xi32, #tpu.memory_space<vmem>> -> memref<32xi32, #tpu.memory_space<vmem>>
    %dma_start3A_141 = arith.constant 0 : i32
    %dma_start3A_142 = arith.constant 0 : i32
    %dma_start3A_143 = tpu.memref_slice %arg2[%dma_start3A_141, %dma_start3A_142] : memref<1000x512xf32, #tpu.memory_space<hbm>> -> memref<1000x512xf32, #tpu.memory_space<hbm>>
    tpu.enqueue_indirect_dma source(%dma_start3A_143 : memref<1000x512xf32, #tpu.memory_space<hbm>>) target(%arg8 : memref<32x512xf32, #tpu.memory_space<vmem>>) offsets(%dma_start3A_140 : memref<32xi32, #tpu.memory_space<vmem>>) semaphore(%arg15 : memref<!tpu.dma_semaphore, #tpu.memory_space<semaphore_mem>>)
    %dma_wait3A_144 = arith.constant 160 : i32
    %dma_wait3A_145 = tpu.memref_slice %arg5[%dma_wait3A_144] : memref<512xi32, #tpu.memory_space<vmem>> -> memref<32xi32, #tpu.memory_space<vmem>>
    %dma_wait3A_146 = arith.constant 0 : i32
    %dma_wait3A_147 = arith.constant 0 : i32
    %dma_wait3A_148 = tpu.memref_slice %arg2[%dma_wait3A_146, %dma_wait3A_147] : memref<1000x512xf32, #tpu.memory_space<hbm>> -> memref<1000x512xf32, #tpu.memory_space<hbm>>
    tpu.wait_indirect_dma semaphore(%arg18 : memref<!tpu.dma_semaphore, #tpu.memory_space<semaphore_mem>>) src(%dma_wait3A_148 : memref<1000x512xf32, #tpu.memory_space<hbm>>) dst(%arg11 : memref<32x512xf32, #tpu.memory_space<vmem>>)
    %add3A_149 = arith.constant 160 : i32
    %add3A_150 = arith.addi %mul3A_2, %add3A_149 : i32
    %dma_start3A_151 = arith.constant 0 : i32
    %dma_start3A_152 = tpu.memref_slice %arg4[%add3A_150, %dma_start3A_151] : memref<16384x512xf32, #tpu.memory_space<hbm>> -> memref<32x512xf32, #tpu.memory_space<hbm>>
    %dma_start3A_153 = arith.constant 0 : i32
    %dma_start3A_154 = tpu.memref_slice %arg4[%add3A_150, %dma_start3A_153] : memref<16384x512xf32, #tpu.memory_space<hbm>> -> memref<32x512xf32, #tpu.memory_space<hbm>>
    tpu.enqueue_dma source(%arg11 : memref<32x512xf32, #tpu.memory_space<vmem>>) target(%dma_start3A_154 : memref<32x512xf32, #tpu.memory_space<hbm>>) target_semaphore(%arg25 : memref<!tpu.dma_semaphore, #tpu.memory_space<semaphore_mem>>)
    %dma_wait3A_155 = arith.constant 0 : i32
    %dma_wait3A_156 = tpu.memref_slice %arg4[%add3A_104, %dma_wait3A_155] : memref<16384x512xf32, #tpu.memory_space<hbm>> -> memref<32x512xf32, #tpu.memory_space<hbm>>
    %dma_wait3A_157 = arith.constant 0 : i32
    %dma_wait3A_158 = tpu.memref_slice %arg4[%add3A_104, %dma_wait3A_157] : memref<16384x512xf32, #tpu.memory_space<hbm>> -> memref<32x512xf32, #tpu.memory_space<hbm>>
    tpu.wait_dma2 semaphore(%arg23 : memref<!tpu.dma_semaphore, #tpu.memory_space<semaphore_mem>>) src(%arg9 : memref<32x512xf32, #tpu.memory_space<vmem>>) dst(%dma_wait3A_158 : memref<32x512xf32, #tpu.memory_space<hbm>>)
    %dma_start3A_159 = arith.constant 320 : i32
    %dma_start3A_160 = tpu.memref_slice %arg5[%dma_start3A_159] : memref<512xi32, #tpu.memory_space<vmem>> -> memref<32xi32, #tpu.memory_space<vmem>>
    %dma_start3A_161 = arith.constant 0 : i32
    %dma_start3A_162 = arith.constant 0 : i32
    %dma_start3A_163 = tpu.memref_slice %arg2[%dma_start3A_161, %dma_start3A_162] : memref<1000x512xf32, #tpu.memory_space<hbm>> -> memref<1000x512xf32, #tpu.memory_space<hbm>>
    tpu.enqueue_indirect_dma source(%dma_start3A_163 : memref<1000x512xf32, #tpu.memory_space<hbm>>) target(%arg9 : memref<32x512xf32, #tpu.memory_space<vmem>>) offsets(%dma_start3A_160 : memref<32xi32, #tpu.memory_space<vmem>>) semaphore(%arg16 : memref<!tpu.dma_semaphore, #tpu.memory_space<semaphore_mem>>)
    %dma_wait3A_164 = arith.constant 192 : i32
    %dma_wait3A_165 = tpu.memref_slice %arg5[%dma_wait3A_164] : memref<512xi32, #tpu.memory_space<vmem>> -> memref<32xi32, #tpu.memory_space<vmem>>
    %dma_wait3A_166 = arith.constant 0 : i32
    %dma_wait3A_167 = arith.constant 0 : i32
    %dma_wait3A_168 = tpu.memref_slice %arg2[%dma_wait3A_166, %dma_wait3A_167] : memref<1000x512xf32, #tpu.memory_space<hbm>> -> memref<1000x512xf32, #tpu.memory_space<hbm>>
    tpu.wait_indirect_dma semaphore(%arg19 : memref<!tpu.dma_semaphore, #tpu.memory_space<semaphore_mem>>) src(%dma_wait3A_168 : memref<1000x512xf32, #tpu.memory_space<hbm>>) dst(%arg12 : memref<32x512xf32, #tpu.memory_space<vmem>>)
    %add3A_169 = arith.constant 192 : i32
    %add3A_170 = arith.addi %mul3A_2, %add3A_169 : i32
    %dma_start3A_171 = arith.constant 0 : i32
    %dma_start3A_172 = tpu.memref_slice %arg4[%add3A_170, %dma_start3A_171] : memref<16384x512xf32, #tpu.memory_space<hbm>> -> memref<32x512xf32, #tpu.memory_space<hbm>>
    %dma_start3A_173 = arith.constant 0 : i32
    %dma_start3A_174 = tpu.memref_slice %arg4[%add3A_170, %dma_start3A_173] : memref<16384x512xf32, #tpu.memory_space<hbm>> -> memref<32x512xf32, #tpu.memory_space<hbm>>
    tpu.enqueue_dma source(%arg12 : memref<32x512xf32, #tpu.memory_space<vmem>>) target(%dma_start3A_174 : memref<32x512xf32, #tpu.memory_space<hbm>>) target_semaphore(%arg26 : memref<!tpu.dma_semaphore, #tpu.memory_space<semaphore_mem>>)
    %dma_wait3A_175 = arith.constant 0 : i32
    %dma_wait3A_176 = tpu.memref_slice %arg4[%add3A_130, %dma_wait3A_175] : memref<16384x512xf32, #tpu.memory_space<hbm>> -> memref<32x512xf32, #tpu.memory_space<hbm>>
    %dma_wait3A_177 = arith.constant 0 : i32
    %dma_wait3A_178 = tpu.memref_slice %arg4[%add3A_130, %dma_wait3A_177] : memref<16384x512xf32, #tpu.memory_space<hbm>> -> memref<32x512xf32, #tpu.memory_space<hbm>>
    tpu.wait_dma2 semaphore(%arg24 : memref<!tpu.dma_semaphore, #tpu.memory_space<semaphore_mem>>) src(%arg10 : memref<32x512xf32, #tpu.memory_space<vmem>>) dst(%dma_wait3A_178 : memref<32x512xf32, #tpu.memory_space<hbm>>)
    %dma_start3A_179 = arith.constant 352 : i32
    %dma_start3A_180 = tpu.memref_slice %arg5[%dma_start3A_179] : memref<512xi32, #tpu.memory_space<vmem>> -> memref<32xi32, #tpu.memory_space<vmem>>
    %dma_start3A_181 = arith.constant 0 : i32
    %dma_start3A_182 = arith.constant 0 : i32
    %dma_start3A_183 = tpu.memref_slice %arg2[%dma_start3A_181, %dma_start3A_182] : memref<1000x512xf32, #tpu.memory_space<hbm>> -> memref<1000x512xf32, #tpu.memory_space<hbm>>
    tpu.enqueue_indirect_dma source(%dma_start3A_183 : memref<1000x512xf32, #tpu.memory_space<hbm>>) target(%arg10 : memref<32x512xf32, #tpu.memory_space<vmem>>) offsets(%dma_start3A_180 : memref<32xi32, #tpu.memory_space<vmem>>) semaphore(%arg17 : memref<!tpu.dma_semaphore, #tpu.memory_space<semaphore_mem>>)
    %dma_wait3A_184 = arith.constant 224 : i32
    %dma_wait3A_185 = tpu.memref_slice %arg5[%dma_wait3A_184] : memref<512xi32, #tpu.memory_space<vmem>> -> memref<32xi32, #tpu.memory_space<vmem>>
    %dma_wait3A_186 = arith.constant 0 : i32
    %dma_wait3A_187 = arith.constant 0 : i32
    %dma_wait3A_188 = tpu.memref_slice %arg2[%dma_wait3A_186, %dma_wait3A_187] : memref<1000x512xf32, #tpu.memory_space<hbm>> -> memref<1000x512xf32, #tpu.memory_space<hbm>>
    tpu.wait_indirect_dma semaphore(%arg13 : memref<!tpu.dma_semaphore, #tpu.memory_space<semaphore_mem>>) src(%dma_wait3A_188 : memref<1000x512xf32, #tpu.memory_space<hbm>>) dst(%arg6 : memref<32x512xf32, #tpu.memory_space<vmem>>)
    %add3A_189 = arith.constant 224 : i32
    %add3A_190 = arith.addi %mul3A_2, %add3A_189 : i32
    %dma_start3A_191 = arith.constant 0 : i32
    %dma_start3A_192 = tpu.memref_slice %arg4[%add3A_190, %dma_start3A_191] : memref<16384x512xf32, #tpu.memory_space<hbm>> -> memref<32x512xf32, #tpu.memory_space<hbm>>
    %dma_start3A_193 = arith.constant 0 : i32
    %dma_start3A_194 = tpu.memref_slice %arg4[%add3A_190, %dma_start3A_193] : memref<16384x512xf32, #tpu.memory_space<hbm>> -> memref<32x512xf32, #tpu.memory_space<hbm>>
    tpu.enqueue_dma source(%arg6 : memref<32x512xf32, #tpu.memory_space<vmem>>) target(%dma_start3A_194 : memref<32x512xf32, #tpu.memory_space<hbm>>) target_semaphore(%arg20 : memref<!tpu.dma_semaphore, #tpu.memory_space<semaphore_mem>>)
    %dma_wait3A_195 = arith.constant 0 : i32
    %dma_wait3A_196 = tpu.memref_slice %arg4[%add3A_150, %dma_wait3A_195] : memref<16384x512xf32, #tpu.memory_space<hbm>> -> memref<32x512xf32, #tpu.memory_space<hbm>>
    %dma_wait3A_197 = arith.constant 0 : i32
    %dma_wait3A_198 = tpu.memref_slice %arg4[%add3A_150, %dma_wait3A_197] : memref<16384x512xf32, #tpu.memory_space<hbm>> -> memref<32x512xf32, #tpu.memory_space<hbm>>
    tpu.wait_dma2 semaphore(%arg25 : memref<!tpu.dma_semaphore, #tpu.memory_space<semaphore_mem>>) src(%arg11 : memref<32x512xf32, #tpu.memory_space<vmem>>) dst(%dma_wait3A_198 : memref<32x512xf32, #tpu.memory_space<hbm>>)
    %dma_start3A_199 = arith.constant 384 : i32
    %dma_start3A_200 = tpu.memref_slice %arg5[%dma_start3A_199] : memref<512xi32, #tpu.memory_space<vmem>> -> memref<32xi32, #tpu.memory_space<vmem>>
    %dma_start3A_201 = arith.constant 0 : i32
    %dma_start3A_202 = arith.constant 0 : i32
    %dma_start3A_203 = tpu.memref_slice %arg2[%dma_start3A_201, %dma_start3A_202] : memref<1000x512xf32, #tpu.memory_space<hbm>> -> memref<1000x512xf32, #tpu.memory_space<hbm>>
    tpu.enqueue_indirect_dma source(%dma_start3A_203 : memref<1000x512xf32, #tpu.memory_space<hbm>>) target(%arg11 : memref<32x512xf32, #tpu.memory_space<vmem>>) offsets(%dma_start3A_200 : memref<32xi32, #tpu.memory_space<vmem>>) semaphore(%arg18 : memref<!tpu.dma_semaphore, #tpu.memory_space<semaphore_mem>>)
    %dma_wait3A_204 = arith.constant 256 : i32
    %dma_wait3A_205 = tpu.memref_slice %arg5[%dma_wait3A_204] : memref<512xi32, #tpu.memory_space<vmem>> -> memref<32xi32, #tpu.memory_space<vmem>>
    %dma_wait3A_206 = arith.constant 0 : i32
    %dma_wait3A_207 = arith.constant 0 : i32
    %dma_wait3A_208 = tpu.memref_slice %arg2[%dma_wait3A_206, %dma_wait3A_207] : memref<1000x512xf32, #tpu.memory_space<hbm>> -> memref<1000x512xf32, #tpu.memory_space<hbm>>
    tpu.wait_indirect_dma semaphore(%arg14 : memref<!tpu.dma_semaphore, #tpu.memory_space<semaphore_mem>>) src(%dma_wait3A_208 : memref<1000x512xf32, #tpu.memory_space<hbm>>) dst(%arg7 : memref<32x512xf32, #tpu.memory_space<vmem>>)
    %add3A_209 = arith.constant 256 : i32
    %add3A_210 = arith.addi %mul3A_2, %add3A_209 : i32
    %dma_start3A_211 = arith.constant 0 : i32
    %dma_start3A_212 = tpu.memref_slice %arg4[%add3A_210, %dma_start3A_211] : memref<16384x512xf32, #tpu.memory_space<hbm>> -> memref<32x512xf32, #tpu.memory_space<hbm>>
    %dma_start3A_213 = arith.constant 0 : i32
    %dma_start3A_214 = tpu.memref_slice %arg4[%add3A_210, %dma_start3A_213] : memref<16384x512xf32, #tpu.memory_space<hbm>> -> memref<32x512xf32, #tpu.memory_space<hbm>>
    tpu.enqueue_dma source(%arg7 : memref<32x512xf32, #tpu.memory_space<vmem>>) target(%dma_start3A_214 : memref<32x512xf32, #tpu.memory_space<hbm>>) target_semaphore(%arg21 : memref<!tpu.dma_semaphore, #tpu.memory_space<semaphore_mem>>)
    %dma_wait3A_215 = arith.constant 0 : i32
    %dma_wait3A_216 = tpu.memref_slice %arg4[%add3A_170, %dma_wait3A_215] : memref<16384x512xf32, #tpu.memory_space<hbm>> -> memref<32x512xf32, #tpu.memory_space<hbm>>
    %dma_wait3A_217 = arith.constant 0 : i32
    %dma_wait3A_218 = tpu.memref_slice %arg4[%add3A_170, %dma_wait3A_217] : memref<16384x512xf32, #tpu.memory_space<hbm>> -> memref<32x512xf32, #tpu.memory_space<hbm>>
    tpu.wait_dma2 semaphore(%arg26 : memref<!tpu.dma_semaphore, #tpu.memory_space<semaphore_mem>>) src(%arg12 : memref<32x512xf32, #tpu.memory_space<vmem>>) dst(%dma_wait3A_218 : memref<32x512xf32, #tpu.memory_space<hbm>>)
    %dma_start3A_219 = arith.constant 416 : i32
    %dma_start3A_220 = tpu.memref_slice %arg5[%dma_start3A_219] : memref<512xi32, #tpu.memory_space<vmem>> -> memref<32xi32, #tpu.memory_space<vmem>>
    %dma_start3A_221 = arith.constant 0 : i32
    %dma_start3A_222 = arith.constant 0 : i32
    %dma_start3A_223 = tpu.memref_slice %arg2[%dma_start3A_221, %dma_start3A_222] : memref<1000x512xf32, #tpu.memory_space<hbm>> -> memref<1000x512xf32, #tpu.memory_space<hbm>>
    tpu.enqueue_indirect_dma source(%dma_start3A_223 : memref<1000x512xf32, #tpu.memory_space<hbm>>) target(%arg12 : memref<32x512xf32, #tpu.memory_space<vmem>>) offsets(%dma_start3A_220 : memref<32xi32, #tpu.memory_space<vmem>>) semaphore(%arg19 : memref<!tpu.dma_semaphore, #tpu.memory_space<semaphore_mem>>)
    %dma_wait3A_224 = arith.constant 288 : i32
    %dma_wait3A_225 = tpu.memref_slice %arg5[%dma_wait3A_224] : memref<512xi32, #tpu.memory_space<vmem>> -> memref<32xi32, #tpu.memory_space<vmem>>
    %dma_wait3A_226 = arith.constant 0 : i32
    %dma_wait3A_227 = arith.constant 0 : i32
    %dma_wait3A_228 = tpu.memref_slice %arg2[%dma_wait3A_226, %dma_wait3A_227] : memref<1000x512xf32, #tpu.memory_space<hbm>> -> memref<1000x512xf32, #tpu.memory_space<hbm>>
    tpu.wait_indirect_dma semaphore(%arg15 : memref<!tpu.dma_semaphore, #tpu.memory_space<semaphore_mem>>) src(%dma_wait3A_228 : memref<1000x512xf32, #tpu.memory_space<hbm>>) dst(%arg8 : memref<32x512xf32, #tpu.memory_space<vmem>>)
    %add3A_229 = arith.constant 288 : i32
    %add3A_230 = arith.addi %mul3A_2, %add3A_229 : i32
    %dma_start3A_231 = arith.constant 0 : i32
    %dma_start3A_232 = tpu.memref_slice %arg4[%add3A_230, %dma_start3A_231] : memref<16384x512xf32, #tpu.memory_space<hbm>> -> memref<32x512xf32, #tpu.memory_space<hbm>>
    %dma_start3A_233 = arith.constant 0 : i32
    %dma_start3A_234 = tpu.memref_slice %arg4[%add3A_230, %dma_start3A_233] : memref<16384x512xf32, #tpu.memory_space<hbm>> -> memref<32x512xf32, #tpu.memory_space<hbm>>
    tpu.enqueue_dma source(%arg8 : memref<32x512xf32, #tpu.memory_space<vmem>>) target(%dma_start3A_234 : memref<32x512xf32, #tpu.memory_space<hbm>>) target_semaphore(%arg22 : memref<!tpu.dma_semaphore, #tpu.memory_space<semaphore_mem>>)
    %dma_wait3A_235 = arith.constant 0 : i32
    %dma_wait3A_236 = tpu.memref_slice %arg4[%add3A_190, %dma_wait3A_235] : memref<16384x512xf32, #tpu.memory_space<hbm>> -> memref<32x512xf32, #tpu.memory_space<hbm>>
    %dma_wait3A_237 = arith.constant 0 : i32
    %dma_wait3A_238 = tpu.memref_slice %arg4[%add3A_190, %dma_wait3A_237] : memref<16384x512xf32, #tpu.memory_space<hbm>> -> memref<32x512xf32, #tpu.memory_space<hbm>>
    tpu.wait_dma2 semaphore(%arg20 : memref<!tpu.dma_semaphore, #tpu.memory_space<semaphore_mem>>) src(%arg6 : memref<32x512xf32, #tpu.memory_space<vmem>>) dst(%dma_wait3A_238 : memref<32x512xf32, #tpu.memory_space<hbm>>)
    %dma_start3A_239 = arith.constant 448 : i32
    %dma_start3A_240 = tpu.memref_slice %arg5[%dma_start3A_239] : memref<512xi32, #tpu.memory_space<vmem>> -> memref<32xi32, #tpu.memory_space<vmem>>
    %dma_start3A_241 = arith.constant 0 : i32
    %dma_start3A_242 = arith.constant 0 : i32
    %dma_start3A_243 = tpu.memref_slice %arg2[%dma_start3A_241, %dma_start3A_242] : memref<1000x512xf32, #tpu.memory_space<hbm>> -> memref<1000x512xf32, #tpu.memory_space<hbm>>
    tpu.enqueue_indirect_dma source(%dma_start3A_243 : memref<1000x512xf32, #tpu.memory_space<hbm>>) target(%arg6 : memref<32x512xf32, #tpu.memory_space<vmem>>) offsets(%dma_start3A_240 : memref<32xi32, #tpu.memory_space<vmem>>) semaphore(%arg13 : memref<!tpu.dma_semaphore, #tpu.memory_space<semaphore_mem>>)
    %dma_wait3A_244 = arith.constant 320 : i32
    %dma_wait3A_245 = tpu.memref_slice %arg5[%dma_wait3A_244] : memref<512xi32, #tpu.memory_space<vmem>> -> memref<32xi32, #tpu.memory_space<vmem>>
    %dma_wait3A_246 = arith.constant 0 : i32
    %dma_wait3A_247 = arith.constant 0 : i32
    %dma_wait3A_248 = tpu.memref_slice %arg2[%dma_wait3A_246, %dma_wait3A_247] : memref<1000x512xf32, #tpu.memory_space<hbm>> -> memref<1000x512xf32, #tpu.memory_space<hbm>>
    tpu.wait_indirect_dma semaphore(%arg16 : memref<!tpu.dma_semaphore, #tpu.memory_space<semaphore_mem>>) src(%dma_wait3A_248 : memref<1000x512xf32, #tpu.memory_space<hbm>>) dst(%arg9 : memref<32x512xf32, #tpu.memory_space<vmem>>)
    %add3A_249 = arith.constant 320 : i32
    %add3A_250 = arith.addi %mul3A_2, %add3A_249 : i32
    %dma_start3A_251 = arith.constant 0 : i32
    %dma_start3A_252 = tpu.memref_slice %arg4[%add3A_250, %dma_start3A_251] : memref<16384x512xf32, #tpu.memory_space<hbm>> -> memref<32x512xf32, #tpu.memory_space<hbm>>
    %dma_start3A_253 = arith.constant 0 : i32
    %dma_start3A_254 = tpu.memref_slice %arg4[%add3A_250, %dma_start3A_253] : memref<16384x512xf32, #tpu.memory_space<hbm>> -> memref<32x512xf32, #tpu.memory_space<hbm>>
    tpu.enqueue_dma source(%arg9 : memref<32x512xf32, #tpu.memory_space<vmem>>) target(%dma_start3A_254 : memref<32x512xf32, #tpu.memory_space<hbm>>) target_semaphore(%arg23 : memref<!tpu.dma_semaphore, #tpu.memory_space<semaphore_mem>>)
    %dma_wait3A_255 = arith.constant 0 : i32
    %dma_wait3A_256 = tpu.memref_slice %arg4[%add3A_210, %dma_wait3A_255] : memref<16384x512xf32, #tpu.memory_space<hbm>> -> memref<32x512xf32, #tpu.memory_space<hbm>>
    %dma_wait3A_257 = arith.constant 0 : i32
    %dma_wait3A_258 = tpu.memref_slice %arg4[%add3A_210, %dma_wait3A_257] : memref<16384x512xf32, #tpu.memory_space<hbm>> -> memref<32x512xf32, #tpu.memory_space<hbm>>
    tpu.wait_dma2 semaphore(%arg21 : memref<!tpu.dma_semaphore, #tpu.memory_space<semaphore_mem>>) src(%arg7 : memref<32x512xf32, #tpu.memory_space<vmem>>) dst(%dma_wait3A_258 : memref<32x512xf32, #tpu.memory_space<hbm>>)
    %dma_start3A_259 = arith.constant 480 : i32
    %dma_start3A_260 = tpu.memref_slice %arg5[%dma_start3A_259] : memref<512xi32, #tpu.memory_space<vmem>> -> memref<32xi32, #tpu.memory_space<vmem>>
    %dma_start3A_261 = arith.constant 0 : i32
    %dma_start3A_262 = arith.constant 0 : i32
    %dma_start3A_263 = tpu.memref_slice %arg2[%dma_start3A_261, %dma_start3A_262] : memref<1000x512xf32, #tpu.memory_space<hbm>> -> memref<1000x512xf32, #tpu.memory_space<hbm>>
    tpu.enqueue_indirect_dma source(%dma_start3A_263 : memref<1000x512xf32, #tpu.memory_space<hbm>>) target(%arg7 : memref<32x512xf32, #tpu.memory_space<vmem>>) offsets(%dma_start3A_260 : memref<32xi32, #tpu.memory_space<vmem>>) semaphore(%arg14 : memref<!tpu.dma_semaphore, #tpu.memory_space<semaphore_mem>>)
    %dma_wait3A_264 = arith.constant 352 : i32
    %dma_wait3A_265 = tpu.memref_slice %arg5[%dma_wait3A_264] : memref<512xi32, #tpu.memory_space<vmem>> -> memref<32xi32, #tpu.memory_space<vmem>>
    %dma_wait3A_266 = arith.constant 0 : i32
    %dma_wait3A_267 = arith.constant 0 : i32
    %dma_wait3A_268 = tpu.memref_slice %arg2[%dma_wait3A_266, %dma_wait3A_267] : memref<1000x512xf32, #tpu.memory_space<hbm>> -> memref<1000x512xf32, #tpu.memory_space<hbm>>
    tpu.wait_indirect_dma semaphore(%arg17 : memref<!tpu.dma_semaphore, #tpu.memory_space<semaphore_mem>>) src(%dma_wait3A_268 : memref<1000x512xf32, #tpu.memory_space<hbm>>) dst(%arg10 : memref<32x512xf32, #tpu.memory_space<vmem>>)
    %add3A_269 = arith.constant 352 : i32
    %add3A_270 = arith.addi %mul3A_2, %add3A_269 : i32
    %dma_start3A_271 = arith.constant 0 : i32
    %dma_start3A_272 = tpu.memref_slice %arg4[%add3A_270, %dma_start3A_271] : memref<16384x512xf32, #tpu.memory_space<hbm>> -> memref<32x512xf32, #tpu.memory_space<hbm>>
    %dma_start3A_273 = arith.constant 0 : i32
    %dma_start3A_274 = tpu.memref_slice %arg4[%add3A_270, %dma_start3A_273] : memref<16384x512xf32, #tpu.memory_space<hbm>> -> memref<32x512xf32, #tpu.memory_space<hbm>>
    tpu.enqueue_dma source(%arg10 : memref<32x512xf32, #tpu.memory_space<vmem>>) target(%dma_start3A_274 : memref<32x512xf32, #tpu.memory_space<hbm>>) target_semaphore(%arg24 : memref<!tpu.dma_semaphore, #tpu.memory_space<semaphore_mem>>)
    %dma_wait3A_275 = arith.constant 384 : i32
    %dma_wait3A_276 = tpu.memref_slice %arg5[%dma_wait3A_275] : memref<512xi32, #tpu.memory_space<vmem>> -> memref<32xi32, #tpu.memory_space<vmem>>
    %dma_wait3A_277 = arith.constant 0 : i32
    %dma_wait3A_278 = arith.constant 0 : i32
    %dma_wait3A_279 = tpu.memref_slice %arg2[%dma_wait3A_277, %dma_wait3A_278] : memref<1000x512xf32, #tpu.memory_space<hbm>> -> memref<1000x512xf32, #tpu.memory_space<hbm>>
    tpu.wait_indirect_dma semaphore(%arg18 : memref<!tpu.dma_semaphore, #tpu.memory_space<semaphore_mem>>) src(%dma_wait3A_279 : memref<1000x512xf32, #tpu.memory_space<hbm>>) dst(%arg11 : memref<32x512xf32, #tpu.memory_space<vmem>>)
    %add3A_280 = arith.constant 384 : i32
    %add3A_281 = arith.addi %mul3A_2, %add3A_280 : i32
    %dma_start3A_282 = arith.constant 0 : i32
    %dma_start3A_283 = tpu.memref_slice %arg4[%add3A_281, %dma_start3A_282] : memref<16384x512xf32, #tpu.memory_space<hbm>> -> memref<32x512xf32, #tpu.memory_space<hbm>>
    %dma_start3A_284 = arith.constant 0 : i32
    %dma_start3A_285 = tpu.memref_slice %arg4[%add3A_281, %dma_start3A_284] : memref<16384x512xf32, #tpu.memory_space<hbm>> -> memref<32x512xf32, #tpu.memory_space<hbm>>
    tpu.enqueue_dma source(%arg11 : memref<32x512xf32, #tpu.memory_space<vmem>>) target(%dma_start3A_285 : memref<32x512xf32, #tpu.memory_space<hbm>>) target_semaphore(%arg25 : memref<!tpu.dma_semaphore, #tpu.memory_space<semaphore_mem>>)
    %dma_wait3A_286 = arith.constant 416 : i32
    %dma_wait3A_287 = tpu.memref_slice %arg5[%dma_wait3A_286] : memref<512xi32, #tpu.memory_space<vmem>> -> memref<32xi32, #tpu.memory_space<vmem>>
    %dma_wait3A_288 = arith.constant 0 : i32
    %dma_wait3A_289 = arith.constant 0 : i32
    %dma_wait3A_290 = tpu.memref_slice %arg2[%dma_wait3A_288, %dma_wait3A_289] : memref<1000x512xf32, #tpu.memory_space<hbm>> -> memref<1000x512xf32, #tpu.memory_space<hbm>>
    tpu.wait_indirect_dma semaphore(%arg19 : memref<!tpu.dma_semaphore, #tpu.memory_space<semaphore_mem>>) src(%dma_wait3A_290 : memref<1000x512xf32, #tpu.memory_space<hbm>>) dst(%arg12 : memref<32x512xf32, #tpu.memory_space<vmem>>)
    %add3A_291 = arith.constant 416 : i32
    %add3A_292 = arith.addi %mul3A_2, %add3A_291 : i32
    %dma_start3A_293 = arith.constant 0 : i32
    %dma_start3A_294 = tpu.memref_slice %arg4[%add3A_292, %dma_start3A_293] : memref<16384x512xf32, #tpu.memory_space<hbm>> -> memref<32x512xf32, #tpu.memory_space<hbm>>
    %dma_start3A_295 = arith.constant 0 : i32
    %dma_start3A_296 = tpu.memref_slice %arg4[%add3A_292, %dma_start3A_295] : memref<16384x512xf32, #tpu.memory_space<hbm>> -> memref<32x512xf32, #tpu.memory_space<hbm>>
    tpu.enqueue_dma source(%arg12 : memref<32x512xf32, #tpu.memory_space<vmem>>) target(%dma_start3A_296 : memref<32x512xf32, #tpu.memory_space<hbm>>) target_semaphore(%arg26 : memref<!tpu.dma_semaphore, #tpu.memory_space<semaphore_mem>>)
    %dma_wait3A_297 = arith.constant 448 : i32
    %dma_wait3A_298 = tpu.memref_slice %arg5[%dma_wait3A_297] : memref<512xi32, #tpu.memory_space<vmem>> -> memref<32xi32, #tpu.memory_space<vmem>>
    %dma_wait3A_299 = arith.constant 0 : i32
    %dma_wait3A_300 = arith.constant 0 : i32
    %dma_wait3A_301 = tpu.memref_slice %arg2[%dma_wait3A_299, %dma_wait3A_300] : memref<1000x512xf32, #tpu.memory_space<hbm>> -> memref<1000x512xf32, #tpu.memory_space<hbm>>
    tpu.wait_indirect_dma semaphore(%arg13 : memref<!tpu.dma_semaphore, #tpu.memory_space<semaphore_mem>>) src(%dma_wait3A_301 : memref<1000x512xf32, #tpu.memory_space<hbm>>) dst(%arg6 : memref<32x512xf32, #tpu.memory_space<vmem>>)
    %add3A_302 = arith.constant 448 : i32
    %add3A_303 = arith.addi %mul3A_2, %add3A_302 : i32
    %dma_start3A_304 = arith.constant 0 : i32
    %dma_start3A_305 = tpu.memref_slice %arg4[%add3A_303, %dma_start3A_304] : memref<16384x512xf32, #tpu.memory_space<hbm>> -> memref<32x512xf32, #tpu.memory_space<hbm>>
    %dma_start3A_306 = arith.constant 0 : i32
    %dma_start3A_307 = tpu.memref_slice %arg4[%add3A_303, %dma_start3A_306] : memref<16384x512xf32, #tpu.memory_space<hbm>> -> memref<32x512xf32, #tpu.memory_space<hbm>>
    tpu.enqueue_dma source(%arg6 : memref<32x512xf32, #tpu.memory_space<vmem>>) target(%dma_start3A_307 : memref<32x512xf32, #tpu.memory_space<hbm>>) target_semaphore(%arg20 : memref<!tpu.dma_semaphore, #tpu.memory_space<semaphore_mem>>)
    %dma_wait3A_308 = arith.constant 480 : i32
    %dma_wait3A_309 = tpu.memref_slice %arg5[%dma_wait3A_308] : memref<512xi32, #tpu.memory_space<vmem>> -> memref<32xi32, #tpu.memory_space<vmem>>
    %dma_wait3A_310 = arith.constant 0 : i32
    %dma_wait3A_311 = arith.constant 0 : i32
    %dma_wait3A_312 = tpu.memref_slice %arg2[%dma_wait3A_310, %dma_wait3A_311] : memref<1000x512xf32, #tpu.memory_space<hbm>> -> memref<1000x512xf32, #tpu.memory_space<hbm>>
    tpu.wait_indirect_dma semaphore(%arg14 : memref<!tpu.dma_semaphore, #tpu.memory_space<semaphore_mem>>) src(%dma_wait3A_312 : memref<1000x512xf32, #tpu.memory_space<hbm>>) dst(%arg7 : memref<32x512xf32, #tpu.memory_space<vmem>>)
    %add3A_313 = arith.constant 480 : i32
    %add3A_314 = arith.addi %mul3A_2, %add3A_313 : i32
    %dma_start3A_315 = arith.constant 0 : i32
    %dma_start3A_316 = tpu.memref_slice %arg4[%add3A_314, %dma_start3A_315] : memref<16384x512xf32, #tpu.memory_space<hbm>> -> memref<32x512xf32, #tpu.memory_space<hbm>>
    %dma_start3A_317 = arith.constant 0 : i32
    %dma_start3A_318 = tpu.memref_slice %arg4[%add3A_314, %dma_start3A_317] : memref<16384x512xf32, #tpu.memory_space<hbm>> -> memref<32x512xf32, #tpu.memory_space<hbm>>
    tpu.enqueue_dma source(%arg7 : memref<32x512xf32, #tpu.memory_space<vmem>>) target(%dma_start3A_318 : memref<32x512xf32, #tpu.memory_space<hbm>>) target_semaphore(%arg21 : memref<!tpu.dma_semaphore, #tpu.memory_space<semaphore_mem>>)
    %dma_wait3A_319 = arith.constant 0 : i32
    %dma_wait3A_320 = tpu.memref_slice %arg4[%add3A_230, %dma_wait3A_319] : memref<16384x512xf32, #tpu.memory_space<hbm>> -> memref<32x512xf32, #tpu.memory_space<hbm>>
    %dma_wait3A_321 = arith.constant 0 : i32
    %dma_wait3A_322 = tpu.memref_slice %arg4[%add3A_230, %dma_wait3A_321] : memref<16384x512xf32, #tpu.memory_space<hbm>> -> memref<32x512xf32, #tpu.memory_space<hbm>>
    tpu.wait_dma2 semaphore(%arg22 : memref<!tpu.dma_semaphore, #tpu.memory_space<semaphore_mem>>) src(%arg8 : memref<32x512xf32, #tpu.memory_space<vmem>>) dst(%dma_wait3A_322 : memref<32x512xf32, #tpu.memory_space<hbm>>)
    %dma_wait3A_323 = arith.constant 0 : i32
    %dma_wait3A_324 = tpu.memref_slice %arg4[%add3A_250, %dma_wait3A_323] : memref<16384x512xf32, #tpu.memory_space<hbm>> -> memref<32x512xf32, #tpu.memory_space<hbm>>
    %dma_wait3A_325 = arith.constant 0 : i32
    %dma_wait3A_326 = tpu.memref_slice %arg4[%add3A_250, %dma_wait3A_325] : memref<16384x512xf32, #tpu.memory_space<hbm>> -> memref<32x512xf32, #tpu.memory_space<hbm>>
    tpu.wait_dma2 semaphore(%arg23 : memref<!tpu.dma_semaphore, #tpu.memory_space<semaphore_mem>>) src(%arg9 : memref<32x512xf32, #tpu.memory_space<vmem>>) dst(%dma_wait3A_326 : memref<32x512xf32, #tpu.memory_space<hbm>>)
    %dma_wait3A_327 = arith.constant 0 : i32
    %dma_wait3A_328 = tpu.memref_slice %arg4[%add3A_270, %dma_wait3A_327] : memref<16384x512xf32, #tpu.memory_space<hbm>> -> memref<32x512xf32, #tpu.memory_space<hbm>>
    %dma_wait3A_329 = arith.constant 0 : i32
    %dma_wait3A_330 = tpu.memref_slice %arg4[%add3A_270, %dma_wait3A_329] : memref<16384x512xf32, #tpu.memory_space<hbm>> -> memref<32x512xf32, #tpu.memory_space<hbm>>
    tpu.wait_dma2 semaphore(%arg24 : memref<!tpu.dma_semaphore, #tpu.memory_space<semaphore_mem>>) src(%arg10 : memref<32x512xf32, #tpu.memory_space<vmem>>) dst(%dma_wait3A_330 : memref<32x512xf32, #tpu.memory_space<hbm>>)
    %dma_wait3A_331 = arith.constant 0 : i32
    %dma_wait3A_332 = tpu.memref_slice %arg4[%add3A_281, %dma_wait3A_331] : memref<16384x512xf32, #tpu.memory_space<hbm>> -> memref<32x512xf32, #tpu.memory_space<hbm>>
    %dma_wait3A_333 = arith.constant 0 : i32
    %dma_wait3A_334 = tpu.memref_slice %arg4[%add3A_281, %dma_wait3A_333] : memref<16384x512xf32, #tpu.memory_space<hbm>> -> memref<32x512xf32, #tpu.memory_space<hbm>>
    tpu.wait_dma2 semaphore(%arg25 : memref<!tpu.dma_semaphore, #tpu.memory_space<semaphore_mem>>) src(%arg11 : memref<32x512xf32, #tpu.memory_space<vmem>>) dst(%dma_wait3A_334 : memref<32x512xf32, #tpu.memory_space<hbm>>)
    %dma_wait3A_335 = arith.constant 0 : i32
    %dma_wait3A_336 = tpu.memref_slice %arg4[%add3A_292, %dma_wait3A_335] : memref<16384x512xf32, #tpu.memory_space<hbm>> -> memref<32x512xf32, #tpu.memory_space<hbm>>
    %dma_wait3A_337 = arith.constant 0 : i32
    %dma_wait3A_338 = tpu.memref_slice %arg4[%add3A_292, %dma_wait3A_337] : memref<16384x512xf32, #tpu.memory_space<hbm>> -> memref<32x512xf32, #tpu.memory_space<hbm>>
    tpu.wait_dma2 semaphore(%arg26 : memref<!tpu.dma_semaphore, #tpu.memory_space<semaphore_mem>>) src(%arg12 : memref<32x512xf32, #tpu.memory_space<vmem>>) dst(%dma_wait3A_338 : memref<32x512xf32, #tpu.memory_space<hbm>>)
    %dma_wait3A_339 = arith.constant 0 : i32
    %dma_wait3A_340 = tpu.memref_slice %arg4[%add3A_303, %dma_wait3A_339] : memref<16384x512xf32, #tpu.memory_space<hbm>> -> memref<32x512xf32, #tpu.memory_space<hbm>>
    %dma_wait3A_341 = arith.constant 0 : i32
    %dma_wait3A_342 = tpu.memref_slice %arg4[%add3A_303, %dma_wait3A_341] : memref<16384x512xf32, #tpu.memory_space<hbm>> -> memref<32x512xf32, #tpu.memory_space<hbm>>
    tpu.wait_dma2 semaphore(%arg20 : memref<!tpu.dma_semaphore, #tpu.memory_space<semaphore_mem>>) src(%arg6 : memref<32x512xf32, #tpu.memory_space<vmem>>) dst(%dma_wait3A_342 : memref<32x512xf32, #tpu.memory_space<hbm>>)
    %dma_wait3A_343 = arith.constant 0 : i32
    %dma_wait3A_344 = tpu.memref_slice %arg4[%add3A_314, %dma_wait3A_343] : memref<16384x512xf32, #tpu.memory_space<hbm>> -> memref<32x512xf32, #tpu.memory_space<hbm>>
    %dma_wait3A_345 = arith.constant 0 : i32
    %dma_wait3A_346 = tpu.memref_slice %arg4[%add3A_314, %dma_wait3A_345] : memref<16384x512xf32, #tpu.memory_space<hbm>> -> memref<32x512xf32, #tpu.memory_space<hbm>>
    tpu.wait_dma2 semaphore(%arg21 : memref<!tpu.dma_semaphore, #tpu.memory_space<semaphore_mem>>) src(%arg7 : memref<32x512xf32, #tpu.memory_space<vmem>>) dst(%dma_wait3A_346 : memref<32x512xf32, #tpu.memory_space<hbm>>)
    return
  }
}

module attributes {stable_mosaic.version = 14 : i64} {
  func.func @_table_body(%arg0: memref<1000x256xf32, #tpu.memory_space<vmem>>, %arg1: memref<64x1000xf32, #tpu.memory_space<vmem>>, %arg2: memref<64x256xf32, #tpu.memory_space<vmem>>, %arg3: memref<1x256xf32, #tpu.memory_space<vmem>>, %arg4: memref<256x256xf32, #tpu.memory_space<vmem>>, %arg5: memref<1x256xf32, #tpu.memory_space<vmem>>, %arg6: memref<512x512xf32, #tpu.memory_space<vmem>>, %arg7: memref<1x512xf32, #tpu.memory_space<vmem>>, %arg8: memref<512x512xf32, #tpu.memory_space<vmem>>, %arg9: memref<1x512xf32, #tpu.memory_space<vmem>>, %arg10: memref<1000x512xf32, #tpu.memory_space<vmem>>) attributes {dimension_semantics = [], scalar_prefetch = 0 : i64, scratch_operands = 0 : i64, tpu.core_type = #tpu.core_type<tc>} {
    %get3A = arith.constant 0 : index
    %get3A_0 = arith.constant 0 : index
    %get3A_1 = vector.load %arg1[%get3A, %get3A_0] : memref<64x1000xf32, #tpu.memory_space<vmem>>, vector<64x1000xf32>
    %get3A_2 = arith.constant 0 : index
    %get3A_3 = arith.constant 0 : index
    %get3A_4 = vector.load %arg2[%get3A_2, %get3A_3] : memref<64x256xf32, #tpu.memory_space<vmem>>, vector<64x256xf32>
    %dot_general3A = arith.constant dense<0.000000e+00> : vector<1000x256xf32>
    %dot_general3A_5 = tpu.matmul %get3A_1, %get3A_4, %dot_general3A {dimension_numbers = #tpu.dot_dimension_numbers<[0], [0], [1], [1], [0, 1, 1, 1], [], []>, transpose_lhs_hint = false} : vector<64x1000xf32>, vector<64x256xf32>, vector<1000x256xf32> -> vector<1000x256xf32>
    %get3A_6 = arith.constant 0 : index
    %get3A_7 = arith.constant 0 : index
    %get3A_8 = vector.load %arg3[%get3A_6, %get3A_7] : memref<1x256xf32, #tpu.memory_space<vmem>>, vector<1x256xf32>
    %add3A = vector.broadcast %get3A_8 : vector<1x256xf32> to vector<1000x256xf32>
    %add3A_9 = arith.addf %dot_general3A_5, %add3A : vector<1000x256xf32>
    %max3A = arith.constant 0.000000e+00 : f32
    %max3A_10 = vector.broadcast %max3A : f32 to vector<1000x256xf32>
    %max3A_11 = arith.maximumf %add3A_9, %max3A_10 : vector<1000x256xf32>
    %get3A_12 = arith.constant 0 : index
    %get3A_13 = arith.constant 0 : index
    %get3A_14 = vector.load %arg4[%get3A_12, %get3A_13] : memref<256x256xf32, #tpu.memory_space<vmem>>, vector<256x256xf32>
    %dot_general3A_15 = arith.constant dense<0.000000e+00> : vector<1000x256xf32>
    %dot_general3A_16 = tpu.matmul %max3A_11, %get3A_14, %dot_general3A_15 {dimension_numbers = #tpu.dot_dimension_numbers<[1], [0], [0], [1], [0, 0, 1, 1], [], []>, transpose_lhs_hint = false} : vector<1000x256xf32>, vector<256x256xf32>, vector<1000x256xf32> -> vector<1000x256xf32>
    %get3A_17 = arith.constant 0 : index
    %get3A_18 = arith.constant 0 : index
    %get3A_19 = vector.load %arg5[%get3A_17, %get3A_18] : memref<1x256xf32, #tpu.memory_space<vmem>>, vector<1x256xf32>
    %add3A_20 = vector.broadcast %get3A_19 : vector<1x256xf32> to vector<1000x256xf32>
    %add3A_21 = arith.addf %dot_general3A_16, %add3A_20 : vector<1000x256xf32>
    %get3A_22 = arith.constant 0 : index
    %get3A_23 = arith.constant 0 : index
    %get3A_24 = vector.load %arg0[%get3A_22, %get3A_23] : memref<1000x256xf32, #tpu.memory_space<vmem>>, vector<1000x256xf32>
    %concatenate3A = tpu.concatenate %get3A_24, %add3A_21 in 1 : vector<1000x256xf32>, vector<1000x256xf32> -> vector<1000x512xf32>
    %get3A_25 = arith.constant 0 : index
    %get3A_26 = arith.constant 0 : index
    %get3A_27 = vector.load %arg6[%get3A_25, %get3A_26] : memref<512x512xf32, #tpu.memory_space<vmem>>, vector<512x512xf32>
    %dot_general3A_28 = arith.constant dense<0.000000e+00> : vector<1000x512xf32>
    %dot_general3A_29 = tpu.matmul %concatenate3A, %get3A_27, %dot_general3A_28 {dimension_numbers = #tpu.dot_dimension_numbers<[1], [0], [0], [1], [0, 0, 1, 1], [], []>, transpose_lhs_hint = false} : vector<1000x512xf32>, vector<512x512xf32>, vector<1000x512xf32> -> vector<1000x512xf32>
    %get3A_30 = arith.constant 0 : index
    %get3A_31 = arith.constant 0 : index
    %get3A_32 = vector.load %arg7[%get3A_30, %get3A_31] : memref<1x512xf32, #tpu.memory_space<vmem>>, vector<1x512xf32>
    %add3A_33 = vector.broadcast %get3A_32 : vector<1x512xf32> to vector<1000x512xf32>
    %add3A_34 = arith.addf %dot_general3A_29, %add3A_33 : vector<1000x512xf32>
    %max3A_35 = arith.constant 0.000000e+00 : f32
    %max3A_36 = vector.broadcast %max3A_35 : f32 to vector<1000x512xf32>
    %max3A_37 = arith.maximumf %add3A_34, %max3A_36 : vector<1000x512xf32>
    %get3A_38 = arith.constant 0 : index
    %get3A_39 = arith.constant 0 : index
    %get3A_40 = vector.load %arg8[%get3A_38, %get3A_39] : memref<512x512xf32, #tpu.memory_space<vmem>>, vector<512x512xf32>
    %dot_general3A_41 = arith.constant dense<0.000000e+00> : vector<1000x512xf32>
    %dot_general3A_42 = tpu.matmul %max3A_37, %get3A_40, %dot_general3A_41 {dimension_numbers = #tpu.dot_dimension_numbers<[1], [0], [0], [1], [0, 0, 1, 1], [], []>, transpose_lhs_hint = false} : vector<1000x512xf32>, vector<512x512xf32>, vector<1000x512xf32> -> vector<1000x512xf32>
    %get3A_43 = arith.constant 0 : index
    %get3A_44 = arith.constant 0 : index
    %get3A_45 = vector.load %arg9[%get3A_43, %get3A_44] : memref<1x512xf32, #tpu.memory_space<vmem>>, vector<1x512xf32>
    %add3A_46 = vector.broadcast %get3A_45 : vector<1x512xf32> to vector<1000x512xf32>
    %add3A_47 = arith.addf %dot_general3A_42, %add3A_46 : vector<1000x512xf32>
    %swap3A = arith.constant 0 : index
    %swap3A_48 = arith.constant 0 : index
    %swap3A_49 = vector.load %arg10[%swap3A, %swap3A_48] : memref<1000x512xf32, #tpu.memory_space<vmem>>, vector<1000x512xf32>
    tpu.vector_store %arg10[%swap3A, %swap3A_48], %add3A_47 {strides = array<i32>} : memref<1000x512xf32, #tpu.memory_space<vmem>>, vector<1000x512xf32>,
    return
  }
}

</mosaic_0001>

<sc_bundles>
// kernel: kernel.4.cloned.1.call-start
scs
__scs_entry_jumppad:
0x0: {  	(pc) =	sbr.rel $0x88, $3  }
0x1: {  	(tag) =	ssettag $0x0;
	lr =	simm.s32 $0x1  }
0x2: {  	[smem:$0x3F96] =	sst lr;
	_ =	strace $0xD0000000  }
0x3: {  	_ = 	snop  }
0x4: {  	_ = 	snop  }
0x5: {  	_ = 	snop  }
0x6: {  	_ = 	snop  }
0x7: {  	_ = 	snop  }
__scs_overlays_trampoline_lowered:
0x8: {  	[smem:$0x3FA5] =	sst s0  }
0x9: {  	[smem:$0x3FA6] =	sst s1  }
0xa: {  	[smem:$0x3FA7] =	sst s2  }
0xb: {  	[smem:$0x3FA8] =	sst s3  }
0xc: {  	[smem:$0x3FA9] =	sst s4  }
0xd: {  	[smem:$0x3FAA] =	sst s5  }
0xe: {  	[smem:$0x3FAB] =	sst s6  }
0xf: {  	[smem:$0x3FAC] =	sst s7  }
0x10: {  	[smem:$0x3FAD] =	sst s8  }
0x11: {  	[smem:$0x3FAE] =	sst s9;
	s0 =	simm.s32 @!p0 $0x0  }
0x12: {  	s1 =	sld [smem:$0x3F94];
	s0 =	simm.s32 @p0 $0x1  }
0x13: {  	[smem:$0x3FAF] =	sst s0;
	s0 =	simm.s32 @!p1 $0x0  }
0x14: {  	s2 =	sld [smem:$0x3F93];
	s0 =	simm.s32 @p1 $0x1  }
0x15: {  	[smem:$0x3FB0] =	sst s0;
	s0 =	simm.s32 @!p2 $0x0  }
0x16: {  	s3 =	sld [smem:$0x3FDB];
	s0 =	simm.s32 @p2 $0x1  }
0x17: {  	s4 =	simm.s32 $0x1BF5;
	[smem:$0x3FB2] =	sst s0  }
0x18: {  	s0 =	sld [smem:$0x3F95];
	_ =	swait.ge [sflag:s4], $0x0  }
0x19: {  	s7 =	sld [smem:$0x3F96]  }
0x1a: {  	s8 =	sadd.s32 $0xFFFFE003, lr  }
0x1b: {  	s9 =	sadd.s32 $0xFFFFFEF7, lr;
	s5 =	simm.s32 $0xFFFFFFFF;
	p2 =	slt.u32 s8, $0xFFFFF086  }
0x1c: {  	p1 =	slt.u32 s9, $0xF7A;
	s5 =	simm.s32 @!p2 $0x0  }
0x1d: {  	s5 =	simm.s32 @p1 $0x1;
	p0 =	seq.s32 s7, s2  }
0x1e: {  	s7 =	smul.u32 @!p0 $0xF7A, s2;
	p2 =	seq.s32 @!p0 s5, $0x0  }
0x1f: {  	s9 =	smul.u32 $0xF7A, s1;
	s8 =	simm.s32 @!p0 $0x1BF5;
	p2 =	por !p2, p0  }
0x20: {  	[sflag:s8] =	ssyncset.s32 @!p0 $0xFFFFF086;
	s6 =	sadd.s32 @!p0 s3, s7;
	s7 =	simm.s32 @!p0 $0x108  }
0x21: {  	s3 =	sadd.s32 s3, s9;
	s6 =	sadd.s32 @!p0 $0x88, s6;
	s7 =	simm.s32 @p2 $0x1082  }
0x22: {  	[simem:s7], [sflag:s8] =	dma.local @!p0 [hbm:s6], $0xF7A  }
0x23: {  	s9 =	sor.u32 $0xD0000000, s2;
	s6 =	simm.s32 $0x108;
	_ =	swait.ge @!p0 [sflag:s8], $0x0  }
0x24: {  	s3 =	sadd.s32 $0x88, s3;
	s6 =	simm.s32 @!p1 $0x1082;
	[sflag:s4] =	ssyncset.s32 $0xFFFFF086  }
0x25: {  	[simem:s6], [sflag:s4] =	dma.local [hbm:s3], $0xF7A  }
0x26: {  	[smem:$0x3F96] =	sst s1;
	(tag) =	ssettag s2;
	_ =	strace s9  }
0x27: {  	s1 =	sld [smem:$0x3FA6]  }
0x28: {  	s2 =	sld [smem:$0x3FA7]  }
0x29: {  	s4 =	sld [smem:$0x3FA9]  }
0x2a: {  	p0 =	seq.s32 s5, $0x0;
	s5 =	sld [smem:$0x3FAA]  }
0x2b: {  	s6 =	sld [smem:$0x3FAB]  }
0x2c: {  	s7 =	sld [smem:$0x3FAC]  }
0x2d: {  	s3 =	simm.s32 $0x108;
	s8 =	sld [smem:$0x3FAD]  }
0x2e: {  	s3 =	simm.s32 @!p0 $0x1082;
	s9 =	sld [smem:$0x3FAE]  }
0x2f: {  	lr =	sadd.s32 s0, s3;
	s0 =	sld [smem:$0x3FA5]  }
0x30: {  	s3 =	sld [smem:$0x3FA8]  }
0x31: {  	[smem:$0x3FB1] =	sst s10  }
0x32: {  	s10 =	sld [smem:$0x3FAF];
	_ =	sdelay $0x3  }
0x33: {  	p0 =	seq.s32 s10, $0x1;
	s10 =	sld [smem:$0x3FB1];
	_ =	sdelay $0x3  }
0x34: {  	[smem:$0x3FB1] =	sst s10  }
0x35: {  	s10 =	sld [smem:$0x3FB0];
	_ =	sdelay $0x3  }
0x36: {  	p1 =	seq.s32 s10, $0x1;
	s10 =	sld [smem:$0x3FB1];
	_ =	sdelay $0x3  }
0x37: {  	[smem:$0x3FB1] =	sst s10  }
0x38: {  	s10 =	sld [smem:$0x3FB2]  }
0x39: {  	_ = 	snop;
	(pc) =	sbr.ind lr, $3  }
0x3a: {  	_ = 	snop  }
0x3b: {  	_ = 	snop  }
0x3c: {  	p2 =	seq.s32 s10, $0x1;
	s10 =	sld [smem:$0x3FB1]  }
0x3d: {  	_ =	shalt  }
0x3e: {  	_ =	shalt  }
0x3f: {  	_ =	shalt  }
0x40: {  	_ =	shalt  }
0x41: {  	_ =	shalt  }
0x42: {  	_ =	shalt  }
0x43: {  	_ =	shalt  }
0x44: {  	_ =	shalt  }
0x45: {  	_ =	shalt  }
0x46: {  	_ =	shalt  }
0x47: {  	_ =	shalt  }
0x48: {  	_ =	shalt  }
0x49: {  	_ =	shalt  }
0x4a: {  	_ =	shalt  }
0x4b: {  	_ =	shalt  }
0x4c: {  	_ =	shalt  }
0x4d: {  	_ =	shalt  }
0x4e: {  	_ =	shalt  }
0x4f: {  	_ =	shalt  }
0x50: {  	_ =	shalt  }
0x51: {  	_ =	shalt  }
0x52: {  	_ =	shalt  }
0x53: {  	_ =	shalt  }
0x54: {  	_ =	shalt  }
0x55: {  	_ =	shalt  }
0x56: {  	_ =	shalt  }
0x57: {  	_ =	shalt  }
0x58: {  	_ =	shalt  }
0x59: {  	_ =	shalt  }
0x5a: {  	_ =	shalt  }
0x5b: {  	_ =	shalt  }
0x5c: {  	_ =	shalt  }
0x5d: {  	_ =	shalt  }
0x5e: {  	_ =	shalt  }
0x5f: {  	_ =	shalt  }
0x60: {  	_ =	shalt  }
0x61: {  	_ =	shalt  }
0x62: {  	_ =	shalt  }
0x63: {  	_ =	shalt  }
0x64: {  	_ =	shalt  }
0x65: {  	_ =	shalt  }
0x66: {  	_ =	shalt  }
0x67: {  	_ =	shalt  }
0x68: {  	_ =	shalt  }
0x69: {  	_ =	shalt  }
0x6a: {  	_ =	shalt  }
0x6b: {  	_ =	shalt  }
0x6c: {  	_ =	shalt  }
0x6d: {  	_ =	shalt  }
0x6e: {  	_ =	shalt  }
0x6f: {  	_ =	shalt  }
0x70: {  	_ =	shalt  }
0x71: {  	_ =	shalt  }
0x72: {  	_ =	shalt  }
0x73: {  	_ =	shalt  }
0x74: {  	_ =	shalt  }
0x75: {  	_ =	shalt  }
0x76: {  	_ =	shalt  }
0x77: {  	_ =	shalt  }
0x78: {  	_ =	shalt  }
0x79: {  	_ =	shalt  }
0x7a: {  	_ =	shalt  }
0x7b: {  	_ =	shalt  }
0x7c: {  	_ =	shalt  }
0x7d: {  	_ =	shalt  }
0x7e: {  	_ =	shalt  }
0x7f: {  	_ =	shalt  }
0x80: {  	_ =	shalt  }
0x81: {  	_ =	shalt  }
0x82: {  	_ =	shalt  }
0x83: {  	_ =	shalt  }
0x84: {  	_ =	shalt  }
0x85: {  	_ =	shalt  }
0x86: {  	_ =	shalt  }
0x87: {  	_ =	shalt  }
.Lfunc_end0:
.L_simem_size_0:
called_computation_lowered:
.L_overlay_start_0:
0x88: {  	s2 =	sld [smem:$0x3FD9]  }
0x89: {  	s3 =	sld [smem:$0x3FFE];
	_ =	sdelay $0x1  }
0x8a: {  	s1 =	srdreg.scid  }
0x8b: {  	s0 =	sand.u32 $0x1, s1  }
0x8c: {  	s17 =	sshll.u32 s0, $0xA;
	s2 =	sadd.s32 s3, s2  }
0x8d: {  	s2 =	sadd.s32 s2, s17  }
0x8e: {  	[smem:$0x3FBD] =	sst s2  }
0x8f: {  	_ = 	snop  }
0x90: {  	s2 =	sld [smem:$0x3FC9]  }
0x91: {  	s18 =	sld [smem:$0x3FD0];
	(tm) =	ssettm $0x1  }
0x92: {  	s4 =	sld [smem:$0x3FFB];
	_ =	sdelay $0x3  }
0x93: {  	_ =	strace s4  }
0x94: {  	s4 =	sld [smem:$0x3FFC];
	_ =	sdelay $0x3  }
0x95: {  	_ =	strace s4  }
0x96: {  	s4 =	sld [smem:$0x3FFD];
	_ =	sdelay $0x3  }
0x97: {  	_ =	strace s4  }
0x98: {  	_ =	strace $0x8FFFFFFF  }
0x99: {  	s19 =	sld [smem:$0x3FDB];
	_ =	sdelay $0x1  }
0x9a: {  	s5 =	simm.s32 $_scs_section_size  }
0x9b: {  	s6 =	simm.s32 $_size__tile_overlayer_lowered;
	s7 =	simm.s32 $_tile_overlayer_lowered  }
0x9c: {  	s22 =	simm.s32 $0x1BFF;
	s21 =	sshll.u32 s7, $0x1;
	s4 =	sadd.s32 s5, s19  }
0x9d: {  	s8 =	simm.s32 $0x0;
	s20 =	sshll.u32 s6, $0x1;
	s6 =	sadd.s32 s21, s4  }
0x9e: {  	[timem:s8], [sflag:s22] =	dma.local [hbm:s6], s20  }
0x9f: {  	_ =	swait.ge [sflag:s22], s20  }
0xa0: {  	s5 =	ssub.s32 $0x0, s20;
	[sflag:s22] =	ssyncset.done $0x0  }
0xa1: {  	[sflag:s22] =	ssyncadd.s32 s5;
	_ =	sdelay $0x1  }
0xa2: {  	s23 =	simm.s32 $0x1B8B  }
0xa3: {  	_ =	swait.ge [sflag:s23], $0x1  }
0xa4: {  	[sflag:s23] =	ssyncset.done $0x0  }
0xa5: {  	s25 =	simm.s32 $0x1B8E;
	s24 =	sld [smem:$0x3FFE];
	[sflag:s23] =	ssyncadd.s32 $0xFFFFFFFF  }
0xa6: {  	s26 =	simm.s32 $execute0_lowered;
	[smem:$0x3FD2] =	sst s25  }
0xa7: {  	s6 =	sshll.u32 s26, $0x1;
	_ =	strace $0x80000046;
	[dreg:$0x1] =	wrdreg $0xFFFFFFFF  }
0xa8: {  	s28 =	simm.s32 $_size_execute0_lowered;
	s4 =	sadd.s32 s4, s6;
	[dreg:$0x0] =	wrdreg $0x0  }
0xa9: {  	s6 =	sshll.u32 s28, $0x1;
	[dreg:$0x2] =	wrdreg s4  }
0xaa: {  	[dreg:$0x3] =	wrdreg s6  }
0xab: {  	[dreg:$0x4] =	wrdreg $0xC0  }
0xac: {  	_ =	task [dreg:s8], $0x5FFFF  }
0xad: {  	[dreg:$0x1] =	wrdreg $0xFFFFFFFF  }
0xae: {  	[dreg:$0x0] =	wrdreg $0x60  }
0xaf: {  	[dreg:$0x2] =	wrdreg s24  }
0xb0: {  	[dreg:$0x3] =	wrdreg s2  }
0xb1: {  	[dreg:$0x4] =	wrdreg s18  }
0xb2: {  	[dreg:$0x5] =	wrdreg $0x9  }
0xb3: {  	_ =	task.clear_ibuf [dreg:s8], $0x6FFFF;
	_ =	strace $0x90000046  }
0xb4: {  	s29 =	simm.s32 $0x9;
	_ =	strace $0x80000048  }
0xb5: {  	_ =	swait.ge [sflag:s29], $0x1  }
0xb6: {  	[sflag:s29] =	ssyncadd.s32 $0xFFFFFFFF  }
0xb7: {  	_ =	strace $0x90000048  }
0xb8: {  	_ =	sfence  }
0xb9: {  	s30 =	sld [smem:$0x0];
	_ =	sdelay $0x2  }
0xba: {  	s31 =	sshll.u32 s1, $0xD;
	s1 =	sshrl.u32 s1, $0x2  }
0xbb: {  	s3 =	sand.u32 $0x4000, s31;
	s1 =	sadd.s32 s1, s30  }
0xbc: {  	s0 =	sor.u32 s3, s0;
	s1 =	sshll.u32 s1, $0x11  }
0xbd: {  	s0 =	sor.u32 s1, s0  }
0xbe: {  	s0 =	sadd.s32 $0x8F2B, s0  }
0xbf: {  	[sflag:s0] =	ssyncadd.remote.s32 $0x1  }
0xc0: {  	_ =	sfence.sel $0xFFFF  }
0xc1: {  	[dreg:$0x0] =	wrdreg $0xFFFFFFFF;
	(pc) =	sbr.abs _section_cstart, $3  }
0xc2: {  	[dreg:$0x1] =	wrdreg $0xFFFFFFFF  }
0xc3: {  	_ =	task.clear_ibuf [dreg:s8], $0x2FFFF;
	_ =	strace $0x9FFFFFFF  }
0xc4: {  	(tm) =	ssettm $0x7FFFFFFF  }
0xc5: {  	_ =	shalt  }
tec
execute0_lowered:
.L_overlay_start_1:
0x0: {  	(tag) =	ssettag $0x1  }
0x1: {  	s0 =	rddreg [dreg:$0x0]  }
0x2: {  	s1 =	rddreg [dreg:$0x1]  }
0x3: {  	s3 =	rddreg [dreg:$0x2];
	s2 =	srdreg.scid  }
0x4: {  	s4 =	stileid.u32;
	s26 =	simm.s32 $0x100;
	s5 =	sand.u32 $0x1, s2  }
0x5: {  	s2 =	simm.s32 $0x0;
	s4 =	sshll.u32 s4, $0xA;
	s6 =	sshll.u32 s5, $0x9  }
0x6: {  	s29 =	simm.s32 $0x8;
	[smem:$0x7FF] =	sst s2;
	s4 =	sor.u32 s6, s4  }
0x7: {  	_ =	strace $0x80000047;
	s6 =	sshrl.u32 s4, $0x3;
	s7 =	sor.u32 $0x100, s4  }
0x8: {  	[dreg:$0x15] =	wrdreg s26;
	s6 =	sadd.s32 s1, s6;
	s8 =	sshrl.u32 s7, $0x3  }
0x9: {  	s16 =	sshll.u32 s7, $0x6;
	[dreg:$0x4] =	wrdreg s6;
	s1 =	sadd.s32 s1, s8  }
0xa: {  	s4 =	sshll.u32 s4, $0x6;
	s17 =	sadd.s32 s3, s16;
	[dreg:$0x5] =	wrdreg s1  }
0xb: {  	s28 =	simm.s32 $0x9200;
	s8 =	sadd.s32 s3, s4;
	[dreg:$0xd] =	wrdreg s17  }
0xc: {  	s31 =	simm.s32 $0x9A00;
	s9 =	sadd.s32 $0x800, s8;
	[dreg:$0x16] =	wrdreg s8  }
0xd: {  	s30 =	simm.s32 $0x3;
	s10 =	sadd.s32 $0x1000, s8;
	[dreg:$0x6] =	wrdreg s9  }
0xe: {  	s23 =	ssub.s32 $0x2, s5;
	s11 =	sadd.s32 $0x1800, s8;
	[dreg:$0x7] =	wrdreg s10  }
0xf: {  	s5 =	sshrl.u32 s23, $0x1;
	s12 =	sadd.s32 $0x2000, s8;
	[dreg:$0x8] =	wrdreg s11  }
0x10: {  	s26 =	simm.s32 $0x4200;
	s13 =	sadd.s32 $0x2800, s8;
	[dreg:$0x9] =	wrdreg s12  }
0x11: {  	s4 =	sadd.s32 $0x1A00, s0;
	s14 =	sadd.s32 $0x3000, s8;
	[dreg:$0xa] =	wrdreg s13  }
0x12: {  	s3 =	ssub.s32 s23, s5;
	s15 =	sadd.s32 $0x3800, s8;
	[dreg:$0xb] =	wrdreg s14  }
0x13: {  	s5 =	sadd.s32 $0x1B00, s0;
	s18 =	sadd.s32 $0x4800, s8;
	[dreg:$0xc] =	wrdreg s15  }
0x14: {  	s0 =	simm.s32 $0x2;
	s19 =	sadd.s32 $0x5000, s8;
	[dreg:$0xe] =	wrdreg s18  }
0x15: {  	s16 =	simm.s32 $0x200;
	s20 =	sadd.s32 $0x5800, s8;
	[dreg:$0xf] =	wrdreg s19  }
0x16: {  	s23 =	simm.s32 $0xB200;
	s21 =	sadd.s32 $0x6000, s8;
	[dreg:$0x10] =	wrdreg s20  }
0x17: {  	s22 =	sadd.s32 $0x6800, s8;
	s24 =	sadd.s32 $0x7000, s8;
	[dreg:$0x11] =	wrdreg s21  }
0x18: {  	s25 =	sadd.s32 $0x7800, s8;
	s6 =	smax.u32 s3, $0x1;
	[dreg:$0x12] =	wrdreg s22  }
0x19: {  	v2 =	vlaneseq.u32;
	s17 =	simm.s32 $0x10200;
	s3 =	simm.s32 $0x14200;
	[dreg:$0x13] =	wrdreg s24  }
0x1a: {  	vm0 =	vmmov $0xffff;
	v1 =	vshrl.u32 v2, $0x3;
	[dreg:$0x14] =	wrdreg s25;
	s14 =	simm.s32 $0x1;
	s9 =	simm.s32 $0x9  }
0x1b: {  	v0 =	vand.u32 $0x7, v2;
	v2 =	vor.u32 $0x8, v2;
	v1 =	vmul.u32 $0x8, v1;
	s22 =	simm.s32 $0xAA00;
	s24 =	simm.s32 $0xBA00;
	s25 =	simm.s32 $0xC200  }
.LBB2_1:
0x1c: {  	s19 =	rddreg [dreg:$0x4]  }
0x1d: {  	s20 =	rddreg [dreg:$0x5]  }
0x1e: {  	[tilespmem:s2], [sflag:$0xF] =	stream.linear.gather [hbm4b:s19+s2], $0x100, $0x38;
	[tilespmem:$0x1C200] =	vst v63  }
0x1f: {  	s21 =	rddreg [dreg:$0x15]  }
0x20: {  	[tilespmem:s21], [sflag:$0x10] =	stream.linear.gather [hbm4b:s20+s2], $0x100, $0x38;
	[tilespmem:$0x1C200] =	vst v63  }
0x21: {  	s20 =	simm.s32 $0xF  }
0x22: {  	_ =	swait.ge [sflag:s20], $0x100  }
0x23: {  	[sflag:s20] =	ssyncset.done $0x0  }
0x24: {  	[sflag:s20] =	ssyncadd.s32 $0xFFFFFF00  }
0x25: {  	v3 =	vld [tilespmem:$0x0];
	_ =	sdelay $0x4  }
0x26: {  	v4 =	vshll.u32 v3, $0x2  }
0x27: {  	v3 =	vand.u32 $0x7, v3;
	v4 =	vand.u32 $0xFFFFFFE0, v4  }
0x28: {  	v3 =	vor.u32 v3, v4  }
0x29: {  	v4 =	vperm.xlane v3, v0;
	_ =	sdelay $0x1  }
0x2a: {  	v4 =	vadd.s32 v1, v4;
	_ =	sdelay $0x1  }
0x2b: {  	v3 =	vperm.xlane v3, v2;
	_ =	sdelay $0x1  }
0x2c: {  	v3 =	vadd.s32 v1, v3  }
0x2d: {  	[tilespmem:s16], [sflag:$0x1] =	stream.indirect_vreg.gather [hbm4b:s4+s2], $0x80, v4, vm0, $0xb8;
	[tilespmem:$0x1C200] =	vst v63  }
0x2e: {  	s1 =	simm.s32 $0xA00  }
0x2f: {  	[tilespmem:s1], [sflag:$0x1] =	stream.indirect_vreg.gather [hbm4b:s5+s2], $0x80, v4, vm0, $0xb8;
	[tilespmem:$0x1C200] =	vst v63  }
0x30: {  	s21 =	simm.s32 $0x1200  }
0x31: {  	[tilespmem:s21], [sflag:$0x1] =	stream.indirect_vreg.gather [hbm4b:s4+s2], $0x80, v3, vm0, $0xb8;
	[tilespmem:$0x1C200] =	vst v63  }
0x32: {  	s7 =	simm.s32 $0x1A00  }
0x33: {  	[tilespmem:s7], [sflag:$0x1] =	stream.indirect_vreg.gather [hbm4b:s5+s2], $0x80, v3, vm0, $0xb8;
	[tilespmem:$0x1C200] =	vst v63  }
0x34: {  	v3 =	vld [tilespmem:$0x10];
	_ =	sdelay $0x4  }
0x35: {  	v33 =	vshll.u32 v3, $0x2  }
0x36: {  	v3 =	vand.u32 $0x7, v3;
	v4 =	vand.u32 $0xFFFFFFE0, v33  }
0x37: {  	v3 =	vor.u32 v3, v4  }
0x38: {  	v4 =	vperm.xlane v3, v0;
	_ =	sdelay $0x1  }
0x39: {  	v4 =	vadd.s32 v1, v4;
	_ =	sdelay $0x1  }
0x3a: {  	v3 =	vperm.xlane v3, v2;
	_ =	sdelay $0x1  }
0x3b: {  	s8 =	simm.s32 $0x2200;
	v3 =	vadd.s32 v1, v3  }
0x3c: {  	[tilespmem:s8], [sflag:$0x1] =	stream.indirect_vreg.gather [hbm4b:s4+s2], $0x80, v4, vm0, $0xb8;
	[tilespmem:$0x1C200] =	vst v63  }
0x3d: {  	s10 =	simm.s32 $0x2A00  }
0x3e: {  	[tilespmem:s10], [sflag:$0x1] =	stream.indirect_vreg.gather [hbm4b:s5+s2], $0x80, v4, vm0, $0xb8;
	[tilespmem:$0x1C200] =	vst v63  }
0x3f: {  	s12 =	simm.s32 $0x3200  }
0x40: {  	[tilespmem:s12], [sflag:$0x1] =	stream.indirect_vreg.gather [hbm4b:s4+s2], $0x80, v3, vm0, $0xb8;
	[tilespmem:$0x1C200] =	vst v63  }
0x41: {  	s15 =	simm.s32 $0x3A00  }
0x42: {  	[tilespmem:s15], [sflag:$0x1] =	stream.indirect_vreg.gather [hbm4b:s5+s2], $0x80, v3, vm0, $0xb8;
	[tilespmem:$0x1C200] =	vst v63  }
0x43: {  	v3 =	vld [tilespmem:$0x20];
	_ =	sdelay $0x4  }
0x44: {  	v34 =	vshll.u32 v3, $0x2  }
0x45: {  	v3 =	vand.u32 $0x7, v3;
	v4 =	vand.u32 $0xFFFFFFE0, v34  }
0x46: {  	v3 =	vor.u32 v3, v4  }
0x47: {  	v4 =	vperm.xlane v3, v0;
	_ =	sdelay $0x1  }
0x48: {  	v4 =	vadd.s32 v1, v4;
	_ =	sdelay $0x1  }
0x49: {  	v3 =	vperm.xlane v3, v2;
	_ =	sdelay $0x1  }
0x4a: {  	v3 =	vadd.s32 v1, v3  }
0x4b: {  	[tilespmem:s26], [sflag:$0x2] =	stream.indirect_vreg.gather [hbm4b:s4+s2], $0x80, v4, vm0, $0xb8;
	[tilespmem:$0x1C200] =	vst v63  }
0x4c: {  	s18 =	simm.s32 $0x4A00  }
0x4d: {  	[tilespmem:s18], [sflag:$0x2] =	stream.indirect_vreg.gather [hbm4b:s5+s2], $0x80, v4, vm0, $0xb8;
	[tilespmem:$0x1C200] =	vst v63  }
0x4e: {  	s19 =	simm.s32 $0x5200  }
0x4f: {  	[tilespmem:s19], [sflag:$0x2] =	stream.indirect_vreg.gather [hbm4b:s4+s2], $0x80, v3, vm0, $0xb8;
	[tilespmem:$0x1C200] =	vst v63  }
0x50: {  	s20 =	simm.s32 $0x5A00  }
0x51: {  	[tilespmem:s20], [sflag:$0x2] =	stream.indirect_vreg.gather [hbm4b:s5+s2], $0x80, v3, vm0, $0xb8;
	[tilespmem:$0x1C200] =	vst v63  }
0x52: {  	v3 =	vld [tilespmem:$0x30];
	_ =	sdelay $0x4  }
0x53: {  	v35 =	vshll.u32 v3, $0x2  }
0x54: {  	v3 =	vand.u32 $0x7, v3;
	v4 =	vand.u32 $0xFFFFFFE0, v35  }
0x55: {  	v3 =	vor.u32 v3, v4  }
0x56: {  	v4 =	vperm.xlane v3, v0;
	_ =	sdelay $0x1  }
0x57: {  	v4 =	vadd.s32 v1, v4;
	_ =	sdelay $0x1  }
0x58: {  	v3 =	vperm.xlane v3, v2;
	_ =	sdelay $0x1  }
0x59: {  	s21 =	simm.s32 $0x6200;
	v3 =	vadd.s32 v1, v3  }
0x5a: {  	[tilespmem:s21], [sflag:$0x2] =	stream.indirect_vreg.gather [hbm4b:s4+s2], $0x80, v4, vm0, $0xb8;
	[tilespmem:$0x1C200] =	vst v63  }
0x5b: {  	s7 =	simm.s32 $0x6A00  }
0x5c: {  	[tilespmem:s7], [sflag:$0x2] =	stream.indirect_vreg.gather [hbm4b:s5+s2], $0x80, v4, vm0, $0xb8;
	[tilespmem:$0x1C200] =	vst v63  }
0x5d: {  	s8 =	simm.s32 $0x7200  }
0x5e: {  	[tilespmem:s8], [sflag:$0x2] =	stream.indirect_vreg.gather [hbm4b:s4+s2], $0x80, v3, vm0, $0xb8;
	[tilespmem:$0x1C200] =	vst v63  }
0x5f: {  	s10 =	simm.s32 $0x7A00  }
0x60: {  	[tilespmem:s10], [sflag:$0x2] =	stream.indirect_vreg.gather [hbm4b:s5+s2], $0x80, v3, vm0, $0xb8;
	[tilespmem:$0x1C200] =	vst v63  }
0x61: {  	v3 =	vld [tilespmem:$0x40];
	_ =	sdelay $0x4  }
0x62: {  	v36 =	vshll.u32 v3, $0x2  }
0x63: {  	v3 =	vand.u32 $0x7, v3;
	v4 =	vand.u32 $0xFFFFFFE0, v36  }
0x64: {  	v3 =	vor.u32 v3, v4  }
0x65: {  	v4 =	vperm.xlane v3, v0;
	_ =	sdelay $0x1  }
0x66: {  	v4 =	vadd.s32 v1, v4;
	_ =	sdelay $0x1  }
0x67: {  	v3 =	vperm.xlane v3, v2;
	_ =	sdelay $0x1  }
0x68: {  	s7 =	simm.s32 $0x8200;
	v3 =	vadd.s32 v1, v3  }
0x69: {  	[tilespmem:s7], [sflag:$0x3] =	stream.indirect_vreg.gather [hbm4b:s4+s2], $0x80, v4, vm0, $0xb8;
	[tilespmem:$0x1C200] =	vst v63  }
0x6a: {  	s8 =	simm.s32 $0x8A00  }
0x6b: {  	[tilespmem:s8], [sflag:$0x3] =	stream.indirect_vreg.gather [hbm4b:s5+s2], $0x80, v4, vm0, $0xb8;
	[tilespmem:$0x1C200] =	vst v63  }
0x6c: {  	_ = 	snop  }
0x6d: {  	[tilespmem:s28], [sflag:$0x3] =	stream.indirect_vreg.gather [hbm4b:s4+s2], $0x80, v3, vm0, $0xb8;
	[tilespmem:$0x1C200] =	vst v63  }
0x6e: {  	_ = 	snop  }
0x6f: {  	[tilespmem:s31], [sflag:$0x3] =	stream.indirect_vreg.gather [hbm4b:s5+s2], $0x80, v3, vm0, $0xb8;
	[tilespmem:$0x1C200] =	vst v63  }
0x70: {  	v3 =	vld [tilespmem:$0x50];
	_ =	sdelay $0x4  }
0x71: {  	v37 =	vshll.u32 v3, $0x2  }
0x72: {  	v3 =	vand.u32 $0x7, v3;
	v4 =	vand.u32 $0xFFFFFFE0, v37  }
0x73: {  	v3 =	vor.u32 v3, v4  }
0x74: {  	v4 =	vperm.xlane v3, v0;
	_ =	sdelay $0x1  }
0x75: {  	v4 =	vadd.s32 v1, v4;
	_ =	sdelay $0x1  }
0x76: {  	v3 =	vperm.xlane v3, v2;
	_ =	sdelay $0x1  }
0x77: {  	s10 =	simm.s32 $0xA200;
	v3 =	vadd.s32 v1, v3  }
0x78: {  	[tilespmem:s10], [sflag:$0x3] =	stream.indirect_vreg.gather [hbm4b:s4+s2], $0x80, v4, vm0, $0xb8;
	[tilespmem:$0x1C200] =	vst v63  }
0x79: {  	_ = 	snop  }
0x7a: {  	[tilespmem:s22], [sflag:$0x3] =	stream.indirect_vreg.gather [hbm4b:s5+s2], $0x80, v4, vm0, $0xb8;
	[tilespmem:$0x1C200] =	vst v63  }
0x7b: {  	_ = 	snop  }
0x7c: {  	[tilespmem:s23], [sflag:$0x3] =	stream.indirect_vreg.gather [hbm4b:s4+s2], $0x80, v3, vm0, $0xb8;
	[tilespmem:$0x1C200] =	vst v63  }
0x7d: {  	_ = 	snop  }
0x7e: {  	[tilespmem:s24], [sflag:$0x3] =	stream.indirect_vreg.gather [hbm4b:s5+s2], $0x80, v3, vm0, $0xb8;
	[tilespmem:$0x1C200] =	vst v63  }
0x7f: {  	v3 =	vld [tilespmem:$0x60];
	_ =	sdelay $0x4  }
0x80: {  	v38 =	vshll.u32 v3, $0x2  }
0x81: {  	v3 =	vand.u32 $0x7, v3;
	v4 =	vand.u32 $0xFFFFFFE0, v38  }
0x82: {  	v3 =	vor.u32 v3, v4  }
0x83: {  	v4 =	vperm.xlane v3, v0;
	_ =	sdelay $0x1  }
0x84: {  	v4 =	vadd.s32 v1, v4;
	_ =	sdelay $0x1  }
0x85: {  	v3 =	vperm.xlane v3, v2;
	_ =	sdelay $0x1  }
0x86: {  	v3 =	vadd.s32 v1, v3  }
0x87: {  	[tilespmem:s25], [sflag:$0x4] =	stream.indirect_vreg.gather [hbm4b:s4+s2], $0x80, v4, vm0, $0xb8;
	[tilespmem:$0x1C200] =	vst v63  }
0x88: {  	s18 =	simm.s32 $0xCA00  }
0x89: {  	[tilespmem:s18], [sflag:$0x4] =	stream.indirect_vreg.gather [hbm4b:s5+s2], $0x80, v4, vm0, $0xb8;
	[tilespmem:$0x1C200] =	vst v63  }
0x8a: {  	s20 =	simm.s32 $0xD200  }
0x8b: {  	[tilespmem:s20], [sflag:$0x4] =	stream.indirect_vreg.gather [hbm4b:s4+s2], $0x80, v3, vm0, $0xb8;
	[tilespmem:$0x1C200] =	vst v63  }
0x8c: {  	s21 =	simm.s32 $0xDA00  }
0x8d: {  	[tilespmem:s21], [sflag:$0x4] =	stream.indirect_vreg.gather [hbm4b:s5+s2], $0x80, v3, vm0, $0xb8;
	[tilespmem:$0x1C200] =	vst v63  }
0x8e: {  	v3 =	vld [tilespmem:$0x70];
	_ =	sdelay $0x4  }
0x8f: {  	v39 =	vshll.u32 v3, $0x2  }
0x90: {  	v3 =	vand.u32 $0x7, v3;
	v4 =	vand.u32 $0xFFFFFFE0, v39  }
0x91: {  	v3 =	vor.u32 v3, v4  }
0x92: {  	v4 =	vperm.xlane v3, v0;
	_ =	sdelay $0x1  }
0x93: {  	v4 =	vadd.s32 v1, v4;
	_ =	sdelay $0x1  }
0x94: {  	v3 =	vperm.xlane v3, v2;
	_ =	sdelay $0x1  }
0x95: {  	s15 =	simm.s32 $0xE200;
	v3 =	vadd.s32 v1, v3  }
0x96: {  	[tilespmem:s15], [sflag:$0x4] =	stream.indirect_vreg.gather [hbm4b:s4+s2], $0x80, v4, vm0, $0xb8;
	[tilespmem:$0x1C200] =	vst v63  }
0x97: {  	s19 =	simm.s32 $0xEA00  }
0x98: {  	[tilespmem:s19], [sflag:$0x4] =	stream.indirect_vreg.gather [hbm4b:s5+s2], $0x80, v4, vm0, $0xb8;
	[tilespmem:$0x1C200] =	vst v63  }
0x99: {  	s15 =	simm.s32 $0xF200  }
0x9a: {  	[tilespmem:s15], [sflag:$0x4] =	stream.indirect_vreg.gather [hbm4b:s4+s2], $0x80, v3, vm0, $0xb8;
	[tilespmem:$0x1C200] =	vst v63  }
0x9b: {  	s15 =	simm.s32 $0xFA00  }
0x9c: {  	[tilespmem:s15], [sflag:$0x4] =	stream.indirect_vreg.gather [hbm4b:s5+s2], $0x80, v3, vm0, $0xb8;
	[tilespmem:$0x1C200] =	vst v63  }
0x9d: {  	v3 =	vld [tilespmem:$0x80];
	_ =	sdelay $0x4  }
0x9e: {  	v40 =	vshll.u32 v3, $0x2  }
0x9f: {  	v3 =	vand.u32 $0x7, v3;
	v4 =	vand.u32 $0xFFFFFFE0, v40  }
0xa0: {  	v3 =	vor.u32 v3, v4  }
0xa1: {  	v4 =	vperm.xlane v3, v0;
	_ =	sdelay $0x1  }
0xa2: {  	v4 =	vadd.s32 v1, v4;
	_ =	sdelay $0x1  }
0xa3: {  	v3 =	vperm.xlane v3, v2;
	_ =	sdelay $0x1  }
0xa4: {  	v3 =	vadd.s32 v1, v3  }
0xa5: {  	[tilespmem:s17], [sflag:$0x5] =	stream.indirect_vreg.gather [hbm4b:s4+s2], $0x80, v4, vm0, $0xb8;
	[tilespmem:$0x1C200] =	vst v63  }
0xa6: {  	s19 =	simm.s32 $0x10A00  }
0xa7: {  	[tilespmem:s19], [sflag:$0x5] =	stream.indirect_vreg.gather [hbm4b:s5+s2], $0x80, v4, vm0, $0xb8;
	[tilespmem:$0x1C200] =	vst v63  }
0xa8: {  	s19 =	simm.s32 $0x11200  }
0xa9: {  	[tilespmem:s19], [sflag:$0x5] =	stream.indirect_vreg.gather [hbm4b:s4+s2], $0x80, v3, vm0, $0xb8;
	[tilespmem:$0x1C200] =	vst v63  }
0xaa: {  	s19 =	simm.s32 $0x11A00  }
0xab: {  	[tilespmem:s19], [sflag:$0x5] =	stream.indirect_vreg.gather [hbm4b:s5+s2], $0x80, v3, vm0, $0xb8;
	[tilespmem:$0x1C200] =	vst v63  }
0xac: {  	v3 =	vld [tilespmem:$0x90];
	_ =	sdelay $0x4  }
0xad: {  	v41 =	vshll.u32 v3, $0x2  }
0xae: {  	v3 =	vand.u32 $0x7, v3;
	v4 =	vand.u32 $0xFFFFFFE0, v41  }
0xaf: {  	v3 =	vor.u32 v3, v4  }
0xb0: {  	v4 =	vperm.xlane v3, v0;
	_ =	sdelay $0x1  }
0xb1: {  	v4 =	vadd.s32 v1, v4;
	_ =	sdelay $0x1  }
0xb2: {  	v3 =	vperm.xlane v3, v2;
	_ =	sdelay $0x1  }
0xb3: {  	s19 =	simm.s32 $0x12200;
	v3 =	vadd.s32 v1, v3  }
0xb4: {  	[tilespmem:s19], [sflag:$0x5] =	stream.indirect_vreg.gather [hbm4b:s4+s2], $0x80, v4, vm0, $0xb8;
	[tilespmem:$0x1C200] =	vst v63  }
0xb5: {  	s19 =	simm.s32 $0x12A00  }
0xb6: {  	[tilespmem:s19], [sflag:$0x5] =	stream.indirect_vreg.gather [hbm4b:s5+s2], $0x80, v4, vm0, $0xb8;
	[tilespmem:$0x1C200] =	vst v63  }
0xb7: {  	s19 =	simm.s32 $0x13200  }
0xb8: {  	[tilespmem:s19], [sflag:$0x5] =	stream.indirect_vreg.gather [hbm4b:s4+s2], $0x80, v3, vm0, $0xb8;
	[tilespmem:$0x1C200] =	vst v63  }
0xb9: {  	s19 =	simm.s32 $0x13A00  }
0xba: {  	[tilespmem:s19], [sflag:$0x5] =	stream.indirect_vreg.gather [hbm4b:s5+s2], $0x80, v3, vm0, $0xb8;
	[tilespmem:$0x1C200] =	vst v63  }
0xbb: {  	v3 =	vld [tilespmem:$0xA0];
	_ =	sdelay $0x4  }
0xbc: {  	v42 =	vshll.u32 v3, $0x2  }
0xbd: {  	v3 =	vand.u32 $0x7, v3;
	v4 =	vand.u32 $0xFFFFFFE0, v42  }
0xbe: {  	v3 =	vor.u32 v3, v4  }
0xbf: {  	v4 =	vperm.xlane v3, v0;
	_ =	sdelay $0x1  }
0xc0: {  	v4 =	vadd.s32 v1, v4;
	_ =	sdelay $0x1  }
0xc1: {  	v3 =	vperm.xlane v3, v2;
	_ =	sdelay $0x1  }
0xc2: {  	v3 =	vadd.s32 v1, v3  }
0xc3: {  	[tilespmem:s3], [sflag:$0x6] =	stream.indirect_vreg.gather [hbm4b:s4+s2], $0x80, v4, vm0, $0xb8;
	[tilespmem:$0x1C200] =	vst v63  }
0xc4: {  	s19 =	simm.s32 $0x14A00  }
0xc5: {  	[tilespmem:s19], [sflag:$0x6] =	stream.indirect_vreg.gather [hbm4b:s5+s2], $0x80, v4, vm0, $0xb8;
	[tilespmem:$0x1C200] =	vst v63  }
0xc6: {  	s19 =	simm.s32 $0x15200  }
0xc7: {  	[tilespmem:s19], [sflag:$0x6] =	stream.indirect_vreg.gather [hbm4b:s4+s2], $0x80, v3, vm0, $0xb8;
	[tilespmem:$0x1C200] =	vst v63  }
0xc8: {  	s19 =	simm.s32 $0x15A00  }
0xc9: {  	[tilespmem:s19], [sflag:$0x6] =	stream.indirect_vreg.gather [hbm4b:s5+s2], $0x80, v3, vm0, $0xb8;
	[tilespmem:$0x1C200] =	vst v63  }
0xca: {  	v3 =	vld [tilespmem:$0xB0];
	_ =	sdelay $0x4  }
0xcb: {  	v43 =	vshll.u32 v3, $0x2  }
0xcc: {  	v3 =	vand.u32 $0x7, v3;
	v4 =	vand.u32 $0xFFFFFFE0, v43  }
0xcd: {  	v3 =	vor.u32 v3, v4  }
0xce: {  	v4 =	vperm.xlane v3, v0;
	_ =	sdelay $0x1  }
0xcf: {  	v4 =	vadd.s32 v1, v4;
	_ =	sdelay $0x1  }
0xd0: {  	v3 =	vperm.xlane v3, v2;
	_ =	sdelay $0x1  }
0xd1: {  	s19 =	simm.s32 $0x16200;
	v3 =	vadd.s32 v1, v3  }
0xd2: {  	[tilespmem:s19], [sflag:$0x6] =	stream.indirect_vreg.gather [hbm4b:s4+s2], $0x80, v4, vm0, $0xb8;
	[tilespmem:$0x1C200] =	vst v63  }
0xd3: {  	s19 =	simm.s32 $0x16A00  }
0xd4: {  	[tilespmem:s19], [sflag:$0x6] =	stream.indirect_vreg.gather [hbm4b:s5+s2], $0x80, v4, vm0, $0xb8;
	[tilespmem:$0x1C200] =	vst v63  }
0xd5: {  	s19 =	simm.s32 $0x17200  }
0xd6: {  	[tilespmem:s19], [sflag:$0x6] =	stream.indirect_vreg.gather [hbm4b:s4+s2], $0x80, v3, vm0, $0xb8;
	[tilespmem:$0x1C200] =	vst v63  }
0xd7: {  	s19 =	simm.s32 $0x17A00  }
0xd8: {  	[tilespmem:s19], [sflag:$0x6] =	stream.indirect_vreg.gather [hbm4b:s5+s2], $0x80, v3, vm0, $0xb8;
	[tilespmem:$0x1C200] =	vst v63  }
0xd9: {  	v3 =	vld [tilespmem:$0xC0];
	_ =	sdelay $0x4  }
0xda: {  	v44 =	vshll.u32 v3, $0x2  }
0xdb: {  	v3 =	vand.u32 $0x7, v3;
	v4 =	vand.u32 $0xFFFFFFE0, v44  }
0xdc: {  	v3 =	vor.u32 v3, v4  }
0xdd: {  	v4 =	vperm.xlane v3, v0;
	_ =	sdelay $0x1  }
0xde: {  	v4 =	vadd.s32 v1, v4;
	_ =	sdelay $0x1  }
0xdf: {  	v3 =	vperm.xlane v3, v2;
	_ =	sdelay $0x1  }
0xe0: {  	s1 =	simm.s32 $0x18200;
	v3 =	vadd.s32 v1, v3  }
0xe1: {  	[tilespmem:s1], [sflag:$0x7] =	stream.indirect_vreg.gather [hbm4b:s4+s2], $0x80, v4, vm0, $0xb8;
	[tilespmem:$0x1C200] =	vst v63  }
0xe2: {  	s19 =	simm.s32 $0x18A00  }
0xe3: {  	[tilespmem:s19], [sflag:$0x7] =	stream.indirect_vreg.gather [hbm4b:s5+s2], $0x80, v4, vm0, $0xb8;
	[tilespmem:$0x1C200] =	vst v63  }
0xe4: {  	s19 =	simm.s32 $0x19200  }
0xe5: {  	[tilespmem:s19], [sflag:$0x7] =	stream.indirect_vreg.gather [hbm4b:s4+s2], $0x80, v3, vm0, $0xb8;
	[tilespmem:$0x1C200] =	vst v63  }
0xe6: {  	s19 =	simm.s32 $0x19A00  }
0xe7: {  	[tilespmem:s19], [sflag:$0x7] =	stream.indirect_vreg.gather [hbm4b:s5+s2], $0x80, v3, vm0, $0xb8;
	[tilespmem:$0x1C200] =	vst v63  }
0xe8: {  	v3 =	vld [tilespmem:$0xD0];
	_ =	sdelay $0x4  }
0xe9: {  	v45 =	vshll.u32 v3, $0x2  }
0xea: {  	v3 =	vand.u32 $0x7, v3;
	v4 =	vand.u32 $0xFFFFFFE0, v45  }
0xeb: {  	v3 =	vor.u32 v3, v4  }
0xec: {  	v4 =	vperm.xlane v3, v0;
	_ =	sdelay $0x1  }
0xed: {  	v4 =	vadd.s32 v1, v4;
	_ =	sdelay $0x1  }
0xee: {  	v3 =	vperm.xlane v3, v2;
	_ =	sdelay $0x1  }
0xef: {  	s19 =	simm.s32 $0x1A200;
	v3 =	vadd.s32 v1, v3  }
0xf0: {  	[tilespmem:s19], [sflag:$0x7] =	stream.indirect_vreg.gather [hbm4b:s4+s2], $0x80, v4, vm0, $0xb8;
	[tilespmem:$0x1C200] =	vst v63  }
0xf1: {  	s19 =	simm.s32 $0x1AA00  }
0xf2: {  	[tilespmem:s19], [sflag:$0x7] =	stream.indirect_vreg.gather [hbm4b:s5+s2], $0x80, v4, vm0, $0xb8;
	[tilespmem:$0x1C200] =	vst v63  }
0xf3: {  	s19 =	simm.s32 $0x1B200  }
0xf4: {  	[tilespmem:s19], [sflag:$0x7] =	stream.indirect_vreg.gather [hbm4b:s4+s2], $0x80, v3, vm0, $0xb8;
	[tilespmem:$0x1C200] =	vst v63  }
0xf5: {  	s19 =	simm.s32 $0x1BA00  }
0xf6: {  	[tilespmem:s19], [sflag:$0x7] =	stream.indirect_vreg.gather [hbm4b:s5+s2], $0x80, v3, vm0, $0xb8;
	[tilespmem:$0x1C200] =	vst v63  }
0xf7: {  	_ =	swait.ge [sflag:s14], $0x4000  }
0xf8: {  	[sflag:s14] =	ssyncset.done $0x0  }
0xf9: {  	s19 =	rddreg [dreg:$0x16];
	[sflag:s14] =	ssyncadd.s32 $0xFFFFC000  }
0xfa: {  	[hbm4b:s19+s2] =	stream.linear.scatter [tilespmem:s16], [sflag:$0x8], $0x4000, $0x38;
	[tilespmem:$0x1C200] =	vst v63  }
0xfb: {  	_ =	swait.ge [sflag:s0], $0x4000  }
0xfc: {  	[sflag:s0] =	ssyncset.done $0x0  }
0xfd: {  	s19 =	rddreg [dreg:$0x6];
	[sflag:s0] =	ssyncadd.s32 $0xFFFFC000  }
0xfe: {  	[hbm4b:s19+s2] =	stream.linear.scatter [tilespmem:s26], [sflag:$0x9], $0x4000, $0x38;
	[tilespmem:$0x1C200] =	vst v63  }
0xff: {  	_ =	swait.ge [sflag:s30], $0x4000  }
0x100: {  	[sflag:s30] =	ssyncset.done $0x0  }
0x101: {  	s19 =	rddreg [dreg:$0x7];
	[sflag:s30] =	ssyncadd.s32 $0xFFFFC000  }
0x102: {  	[hbm4b:s19+s2] =	stream.linear.scatter [tilespmem:s7], [sflag:$0xA], $0x4000, $0x38;
	[tilespmem:$0x1C200] =	vst v63  }
0x103: {  	_ =	swait.ge [sflag:s29], $0x4000  }
0x104: {  	[sflag:s29] =	ssyncset.done $0x0  }
0x105: {  	[sflag:s29] =	ssyncadd.s32 $0xFFFFC000  }
0x106: {  	v3 =	vld [tilespmem:$0xE0];
	_ =	sdelay $0x4  }
0x107: {  	v46 =	vshll.u32 v3, $0x2  }
0x108: {  	v3 =	vand.u32 $0x7, v3;
	v4 =	vand.u32 $0xFFFFFFE0, v46  }
0x109: {  	v3 =	vor.u32 v3, v4  }
0x10a: {  	v4 =	vperm.xlane v3, v0;
	_ =	sdelay $0x1  }
0x10b: {  	v4 =	vadd.s32 v1, v4;
	_ =	sdelay $0x1  }
0x10c: {  	v3 =	vperm.xlane v3, v2;
	_ =	sdelay $0x1  }
0x10d: {  	v3 =	vadd.s32 v1, v3  }
0x10e: {  	[tilespmem:s16], [sflag:$0x1] =	stream.indirect_vreg.gather [hbm4b:s4+s2], $0x80, v4, vm0, $0xb8;
	[tilespmem:$0x1C200] =	vst v63  }
0x10f: {  	s19 =	simm.s32 $0xA00  }
0x110: {  	[tilespmem:s19], [sflag:$0x1] =	stream.indirect_vreg.gather [hbm4b:s5+s2], $0x80, v4, vm0, $0xb8;
	[tilespmem:$0x1C200] =	vst v63  }
0x111: {  	s19 =	simm.s32 $0x1200  }
0x112: {  	[tilespmem:s19], [sflag:$0x1] =	stream.indirect_vreg.gather [hbm4b:s4+s2], $0x80, v3, vm0, $0xb8;
	[tilespmem:$0x1C200] =	vst v63  }
0x113: {  	s11 =	simm.s32 $0x1A00  }
0x114: {  	[tilespmem:s11], [sflag:$0x1] =	stream.indirect_vreg.gather [hbm4b:s5+s2], $0x80, v3, vm0, $0xb8;
	[tilespmem:$0x1C200] =	vst v63  }
0x115: {  	v3 =	vld [tilespmem:$0xF0];
	_ =	sdelay $0x4  }
0x116: {  	v47 =	vshll.u32 v3, $0x2  }
0x117: {  	v3 =	vand.u32 $0x7, v3;
	v4 =	vand.u32 $0xFFFFFFE0, v47  }
0x118: {  	v3 =	vor.u32 v3, v4  }
0x119: {  	v4 =	vperm.xlane v3, v0;
	_ =	sdelay $0x1  }
0x11a: {  	v4 =	vadd.s32 v1, v4;
	_ =	sdelay $0x1  }
0x11b: {  	v3 =	vperm.xlane v3, v2;
	_ =	sdelay $0x1  }
0x11c: {  	s13 =	simm.s32 $0x2200;
	v3 =	vadd.s32 v1, v3  }
0x11d: {  	[tilespmem:s13], [sflag:$0x1] =	stream.indirect_vreg.gather [hbm4b:s4+s2], $0x80, v4, vm0, $0xb8;
	[tilespmem:$0x1C200] =	vst v63  }
0x11e: {  	s13 =	simm.s32 $0x2A00  }
0x11f: {  	[tilespmem:s13], [sflag:$0x1] =	stream.indirect_vreg.gather [hbm4b:s5+s2], $0x80, v4, vm0, $0xb8;
	[tilespmem:$0x1C200] =	vst v63  }
0x120: {  	s19 =	simm.s32 $0x3200  }
0x121: {  	[tilespmem:s19], [sflag:$0x1] =	stream.indirect_vreg.gather [hbm4b:s4+s2], $0x80, v3, vm0, $0xb8;
	[tilespmem:$0x1C200] =	vst v63  }
0x122: {  	s12 =	simm.s32 $0x3A00;
	s11 =	simm.s32 $0x4  }
0x123: {  	[tilespmem:s12], [sflag:$0x1] =	stream.indirect_vreg.gather [hbm4b:s5+s2], $0x80, v3, vm0, $0xb8;
	[tilespmem:$0x1C200] =	vst v63  }
0x124: {  	_ =	swait.ge [sflag:s11], $0x4000  }
0x125: {  	[sflag:s11] =	ssyncset.done $0x0  }
0x126: {  	s13 =	simm.s32 $0x10;
	s12 =	rddreg [dreg:$0x8];
	[sflag:s11] =	ssyncadd.s32 $0xFFFFC000  }
0x127: {  	[hbm4b:s12+s2] =	stream.linear.scatter [tilespmem:s25], [sflag:$0xB], $0x4000, $0x38;
	[tilespmem:$0x1C200] =	vst v63  }
0x128: {  	_ =	swait.ge [sflag:s13], $0x100  }
0x129: {  	[sflag:s13] =	ssyncset.done $0x0  }
0x12a: {  	[sflag:s13] =	ssyncadd.s32 $0xFFFFFF00  }
0x12b: {  	_ =	swait.ge [sflag:s9], $0x4000  }
0x12c: {  	[sflag:s9] =	ssyncset.done $0x0  }
0x12d: {  	[sflag:s9] =	ssyncadd.s32 $0xFFFFC000  }
0x12e: {  	v3 =	vld [tilespmem:$0x100];
	_ =	sdelay $0x4  }
0x12f: {  	v48 =	vshll.u32 v3, $0x2  }
0x130: {  	v3 =	vand.u32 $0x7, v3;
	v4 =	vand.u32 $0xFFFFFFE0, v48  }
0x131: {  	v3 =	vor.u32 v3, v4  }
0x132: {  	v4 =	vperm.xlane v3, v0;
	_ =	sdelay $0x1  }
0x133: {  	v4 =	vadd.s32 v1, v4;
	_ =	sdelay $0x1  }
0x134: {  	v3 =	vperm.xlane v3, v2;
	_ =	sdelay $0x1  }
0x135: {  	v3 =	vadd.s32 v1, v3  }
0x136: {  	[tilespmem:s26], [sflag:$0x2] =	stream.indirect_vreg.gather [hbm4b:s4+s2], $0x80, v4, vm0, $0xb8;
	[tilespmem:$0x1C200] =	vst v63  }
0x137: {  	s12 =	simm.s32 $0x4A00  }
0x138: {  	[tilespmem:s12], [sflag:$0x2] =	stream.indirect_vreg.gather [hbm4b:s5+s2], $0x80, v4, vm0, $0xb8;
	[tilespmem:$0x1C200] =	vst v63  }
0x139: {  	s13 =	simm.s32 $0x5200  }
0x13a: {  	[tilespmem:s13], [sflag:$0x2] =	stream.indirect_vreg.gather [hbm4b:s4+s2], $0x80, v3, vm0, $0xb8;
	[tilespmem:$0x1C200] =	vst v63  }
0x13b: {  	s19 =	simm.s32 $0x5A00  }
0x13c: {  	[tilespmem:s19], [sflag:$0x2] =	stream.indirect_vreg.gather [hbm4b:s5+s2], $0x80, v3, vm0, $0xb8;
	[tilespmem:$0x1C200] =	vst v63  }
0x13d: {  	v3 =	vld [tilespmem:$0x110];
	_ =	sdelay $0x4  }
0x13e: {  	v49 =	vshll.u32 v3, $0x2  }
0x13f: {  	v3 =	vand.u32 $0x7, v3;
	v4 =	vand.u32 $0xFFFFFFE0, v49  }
0x140: {  	v3 =	vor.u32 v3, v4  }
0x141: {  	v4 =	vperm.xlane v3, v0;
	_ =	sdelay $0x1  }
0x142: {  	v4 =	vadd.s32 v1, v4;
	_ =	sdelay $0x1  }
0x143: {  	v3 =	vperm.xlane v3, v2;
	_ =	sdelay $0x1  }
0x144: {  	s13 =	simm.s32 $0x6200;
	v3 =	vadd.s32 v1, v3  }
0x145: {  	[tilespmem:s13], [sflag:$0x2] =	stream.indirect_vreg.gather [hbm4b:s4+s2], $0x80, v4, vm0, $0xb8;
	[tilespmem:$0x1C200] =	vst v63  }
0x146: {  	s19 =	simm.s32 $0x6A00  }
0x147: {  	[tilespmem:s19], [sflag:$0x2] =	stream.indirect_vreg.gather [hbm4b:s5+s2], $0x80, v4, vm0, $0xb8;
	[tilespmem:$0x1C200] =	vst v63  }
0x148: {  	s13 =	simm.s32 $0x7200  }
0x149: {  	[tilespmem:s13], [sflag:$0x2] =	stream.indirect_vreg.gather [hbm4b:s4+s2], $0x80, v3, vm0, $0xb8;
	[tilespmem:$0x1C200] =	vst v63  }
0x14a: {  	s12 =	simm.s32 $0x5;
	s19 =	simm.s32 $0x7A00  }
0x14b: {  	[tilespmem:s19], [sflag:$0x2] =	stream.indirect_vreg.gather [hbm4b:s5+s2], $0x80, v3, vm0, $0xb8;
	[tilespmem:$0x1C200] =	vst v63  }
0x14c: {  	_ =	swait.ge [sflag:s12], $0x4000  }
0x14d: {  	[sflag:s12] =	ssyncset.done $0x0  }
0x14e: {  	s13 =	rddreg [dreg:$0x9];
	[sflag:s12] =	ssyncadd.s32 $0xFFFFC000  }
0x14f: {  	[hbm4b:s13+s2] =	stream.linear.scatter [tilespmem:s17], [sflag:$0xC], $0x4000, $0x38;
	[tilespmem:$0x1C200] =	vst v63  }
0x150: {  	s13 =	simm.s32 $0xA  }
0x151: {  	_ =	swait.ge [sflag:s13], $0x4000  }
0x152: {  	[sflag:s13] =	ssyncset.done $0x0  }
0x153: {  	[sflag:s13] =	ssyncadd.s32 $0xFFFFC000  }
0x154: {  	v3 =	vld [tilespmem:$0x120];
	_ =	sdelay $0x4  }
0x155: {  	v50 =	vshll.u32 v3, $0x2  }
0x156: {  	v3 =	vand.u32 $0x7, v3;
	v4 =	vand.u32 $0xFFFFFFE0, v50  }
0x157: {  	v3 =	vor.u32 v3, v4  }
0x158: {  	v4 =	vperm.xlane v3, v0;
	_ =	sdelay $0x1  }
0x159: {  	v4 =	vadd.s32 v1, v4;
	_ =	sdelay $0x1  }
0x15a: {  	v3 =	vperm.xlane v3, v2;
	_ =	sdelay $0x1  }
0x15b: {  	v3 =	vadd.s32 v1, v3  }
0x15c: {  	[tilespmem:s7], [sflag:$0x3] =	stream.indirect_vreg.gather [hbm4b:s4+s2], $0x80, v4, vm0, $0xb8;
	[tilespmem:$0x1C200] =	vst v63  }
0x15d: {  	_ = 	snop  }
0x15e: {  	[tilespmem:s8], [sflag:$0x3] =	stream.indirect_vreg.gather [hbm4b:s5+s2], $0x80, v4, vm0, $0xb8;
	[tilespmem:$0x1C200] =	vst v63  }
0x15f: {  	_ = 	snop  }
0x160: {  	[tilespmem:s28], [sflag:$0x3] =	stream.indirect_vreg.gather [hbm4b:s4+s2], $0x80, v3, vm0, $0xb8;
	[tilespmem:$0x1C200] =	vst v63  }
0x161: {  	_ = 	snop  }
0x162: {  	[tilespmem:s31], [sflag:$0x3] =	stream.indirect_vreg.gather [hbm4b:s5+s2], $0x80, v3, vm0, $0xb8;
	[tilespmem:$0x1C200] =	vst v63  }
0x163: {  	v3 =	vld [tilespmem:$0x130];
	_ =	sdelay $0x4  }
0x164: {  	v51 =	vshll.u32 v3, $0x2  }
0x165: {  	v3 =	vand.u32 $0x7, v3;
	v4 =	vand.u32 $0xFFFFFFE0, v51  }
0x166: {  	v3 =	vor.u32 v3, v4  }
0x167: {  	v4 =	vperm.xlane v3, v0;
	_ =	sdelay $0x1  }
0x168: {  	v4 =	vadd.s32 v1, v4;
	_ =	sdelay $0x1  }
0x169: {  	v3 =	vperm.xlane v3, v2;
	_ =	sdelay $0x1  }
0x16a: {  	v3 =	vadd.s32 v1, v3  }
0x16b: {  	[tilespmem:s10], [sflag:$0x3] =	stream.indirect_vreg.gather [hbm4b:s4+s2], $0x80, v4, vm0, $0xb8;
	[tilespmem:$0x1C200] =	vst v63  }
0x16c: {  	_ = 	snop  }
0x16d: {  	[tilespmem:s22], [sflag:$0x3] =	stream.indirect_vreg.gather [hbm4b:s5+s2], $0x80, v4, vm0, $0xb8;
	[tilespmem:$0x1C200] =	vst v63  }
0x16e: {  	_ = 	snop  }
0x16f: {  	[tilespmem:s23], [sflag:$0x3] =	stream.indirect_vreg.gather [hbm4b:s4+s2], $0x80, v3, vm0, $0xb8;
	[tilespmem:$0x1C200] =	vst v63  }
0x170: {  	s8 =	simm.s32 $0x6  }
0x171: {  	[tilespmem:s24], [sflag:$0x3] =	stream.indirect_vreg.gather [hbm4b:s5+s2], $0x80, v3, vm0, $0xb8;
	[tilespmem:$0x1C200] =	vst v63  }
0x172: {  	_ =	swait.ge [sflag:s8], $0x4000  }
0x173: {  	[sflag:s8] =	ssyncset.done $0x0  }
0x174: {  	s10 =	rddreg [dreg:$0xa];
	[sflag:s8] =	ssyncadd.s32 $0xFFFFC000  }
0x175: {  	[hbm4b:s10+s2] =	stream.linear.scatter [tilespmem:s3], [sflag:$0xD], $0x4000, $0x38;
	[tilespmem:$0x1C200] =	vst v63  }
0x176: {  	s10 =	simm.s32 $0xB  }
0x177: {  	_ =	swait.ge [sflag:s10], $0x4000  }
0x178: {  	[sflag:s10] =	ssyncset.done $0x0  }
0x179: {  	[sflag:s10] =	ssyncadd.s32 $0xFFFFC000  }
0x17a: {  	v3 =	vld [tilespmem:$0x140];
	_ =	sdelay $0x4  }
0x17b: {  	v52 =	vshll.u32 v3, $0x2  }
0x17c: {  	v3 =	vand.u32 $0x7, v3;
	v4 =	vand.u32 $0xFFFFFFE0, v52  }
0x17d: {  	v3 =	vor.u32 v3, v4  }
0x17e: {  	v4 =	vperm.xlane v3, v0;
	_ =	sdelay $0x1  }
0x17f: {  	v4 =	vadd.s32 v1, v4;
	_ =	sdelay $0x1  }
0x180: {  	v3 =	vperm.xlane v3, v2;
	_ =	sdelay $0x1  }
0x181: {  	v3 =	vadd.s32 v1, v3  }
0x182: {  	[tilespmem:s25], [sflag:$0x4] =	stream.indirect_vreg.gather [hbm4b:s4+s2], $0x80, v4, vm0, $0xb8;
	[tilespmem:$0x1C200] =	vst v63  }
0x183: {  	_ = 	snop  }
0x184: {  	[tilespmem:s18], [sflag:$0x4] =	stream.indirect_vreg.gather [hbm4b:s5+s2], $0x80, v4, vm0, $0xb8;
	[tilespmem:$0x1C200] =	vst v63  }
0x185: {  	_ = 	snop  }
0x186: {  	[tilespmem:s20], [sflag:$0x4] =	stream.indirect_vreg.gather [hbm4b:s4+s2], $0x80, v3, vm0, $0xb8;
	[tilespmem:$0x1C200] =	vst v63  }
0x187: {  	_ = 	snop  }
0x188: {  	[tilespmem:s21], [sflag:$0x4] =	stream.indirect_vreg.gather [hbm4b:s5+s2], $0x80, v3, vm0, $0xb8;
	[tilespmem:$0x1C200] =	vst v63  }
0x189: {  	v3 =	vld [tilespmem:$0x150];
	_ =	sdelay $0x4  }
0x18a: {  	v53 =	vshll.u32 v3, $0x2  }
0x18b: {  	v3 =	vand.u32 $0x7, v3;
	v4 =	vand.u32 $0xFFFFFFE0, v53  }
0x18c: {  	v3 =	vor.u32 v3, v4  }
0x18d: {  	v4 =	vperm.xlane v3, v0;
	_ =	sdelay $0x1  }
0x18e: {  	v4 =	vadd.s32 v1, v4;
	_ =	sdelay $0x1  }
0x18f: {  	v3 =	vperm.xlane v3, v2;
	_ =	sdelay $0x1  }
0x190: {  	s20 =	simm.s32 $0xE200;
	v3 =	vadd.s32 v1, v3  }
0x191: {  	[tilespmem:s20], [sflag:$0x4] =	stream.indirect_vreg.gather [hbm4b:s4+s2], $0x80, v4, vm0, $0xb8;
	[tilespmem:$0x1C200] =	vst v63  }
0x192: {  	s21 =	simm.s32 $0xEA00  }
0x193: {  	[tilespmem:s21], [sflag:$0x4] =	stream.indirect_vreg.gather [hbm4b:s5+s2], $0x80, v4, vm0, $0xb8;
	[tilespmem:$0x1C200] =	vst v63  }
0x194: {  	s19 =	simm.s32 $0xF200  }
0x195: {  	[tilespmem:s19], [sflag:$0x4] =	stream.indirect_vreg.gather [hbm4b:s4+s2], $0x80, v3, vm0, $0xb8;
	[tilespmem:$0x1C200] =	vst v63  }
0x196: {  	_ = 	snop  }
0x197: {  	[tilespmem:s15], [sflag:$0x4] =	stream.indirect_vreg.gather [hbm4b:s5+s2], $0x80, v3, vm0, $0xb8;
	[tilespmem:$0x1C200] =	vst v63  }
0x198: {  	s15 =	simm.s32 $0x7  }
0x199: {  	_ =	swait.ge [sflag:s15], $0x4000  }
0x19a: {  	[sflag:s15] =	ssyncset.done $0x0  }
0x19b: {  	s18 =	simm.s32 $0xC;
	s20 =	rddreg [dreg:$0xb];
	[sflag:s15] =	ssyncadd.s32 $0xFFFFC000  }
0x19c: {  	[hbm4b:s20+s2] =	stream.linear.scatter [tilespmem:s1], [sflag:$0xE], $0x4000, $0x38;
	[tilespmem:$0x1C200] =	vst v63  }
0x19d: {  	_ =	swait.ge [sflag:s18], $0x4000  }
0x19e: {  	[sflag:s18] =	ssyncset.done $0x0  }
0x19f: {  	[sflag:s18] =	ssyncadd.s32 $0xFFFFC000  }
0x1a0: {  	v3 =	vld [tilespmem:$0x160];
	_ =	sdelay $0x4  }
0x1a1: {  	v54 =	vshll.u32 v3, $0x2  }
0x1a2: {  	v3 =	vand.u32 $0x7, v3;
	v4 =	vand.u32 $0xFFFFFFE0, v54  }
0x1a3: {  	v3 =	vor.u32 v3, v4  }
0x1a4: {  	v4 =	vperm.xlane v3, v0;
	_ =	sdelay $0x1  }
0x1a5: {  	v4 =	vadd.s32 v1, v4;
	_ =	sdelay $0x1  }
0x1a6: {  	v3 =	vperm.xlane v3, v2;
	_ =	sdelay $0x1  }
0x1a7: {  	v3 =	vadd.s32 v1, v3  }
0x1a8: {  	[tilespmem:s17], [sflag:$0x5] =	stream.indirect_vreg.gather [hbm4b:s4+s2], $0x80, v4, vm0, $0xb8;
	[tilespmem:$0x1C200] =	vst v63  }
0x1a9: {  	s21 =	simm.s32 $0x10A00  }
0x1aa: {  	[tilespmem:s21], [sflag:$0x5] =	stream.indirect_vreg.gather [hbm4b:s5+s2], $0x80, v4, vm0, $0xb8;
	[tilespmem:$0x1C200] =	vst v63  }
0x1ab: {  	s20 =	simm.s32 $0x11200  }
0x1ac: {  	[tilespmem:s20], [sflag:$0x5] =	stream.indirect_vreg.gather [hbm4b:s4+s2], $0x80, v3, vm0, $0xb8;
	[tilespmem:$0x1C200] =	vst v63  }
0x1ad: {  	s21 =	simm.s32 $0x11A00  }
0x1ae: {  	[tilespmem:s21], [sflag:$0x5] =	stream.indirect_vreg.gather [hbm4b:s5+s2], $0x80, v3, vm0, $0xb8;
	[tilespmem:$0x1C200] =	vst v63  }
0x1af: {  	v3 =	vld [tilespmem:$0x170];
	_ =	sdelay $0x4  }
0x1b0: {  	v55 =	vshll.u32 v3, $0x2  }
0x1b1: {  	v3 =	vand.u32 $0x7, v3;
	v4 =	vand.u32 $0xFFFFFFE0, v55  }
0x1b2: {  	v3 =	vor.u32 v3, v4  }
0x1b3: {  	v4 =	vperm.xlane v3, v0;
	_ =	sdelay $0x1  }
0x1b4: {  	v4 =	vadd.s32 v1, v4;
	_ =	sdelay $0x1  }
0x1b5: {  	v3 =	vperm.xlane v3, v2;
	_ =	sdelay $0x1  }
0x1b6: {  	s20 =	simm.s32 $0x12200;
	v3 =	vadd.s32 v1, v3  }
0x1b7: {  	[tilespmem:s20], [sflag:$0x5] =	stream.indirect_vreg.gather [hbm4b:s4+s2], $0x80, v4, vm0, $0xb8;
	[tilespmem:$0x1C200] =	vst v63  }
0x1b8: {  	s21 =	simm.s32 $0x12A00  }
0x1b9: {  	[tilespmem:s21], [sflag:$0x5] =	stream.indirect_vreg.gather [hbm4b:s5+s2], $0x80, v4, vm0, $0xb8;
	[tilespmem:$0x1C200] =	vst v63  }
0x1ba: {  	s20 =	simm.s32 $0x13200  }
0x1bb: {  	[tilespmem:s20], [sflag:$0x5] =	stream.indirect_vreg.gather [hbm4b:s4+s2], $0x80, v3, vm0, $0xb8;
	[tilespmem:$0x1C200] =	vst v63  }
0x1bc: {  	s21 =	simm.s32 $0x13A00  }
0x1bd: {  	[tilespmem:s21], [sflag:$0x5] =	stream.indirect_vreg.gather [hbm4b:s5+s2], $0x80, v3, vm0, $0xb8;
	[tilespmem:$0x1C200] =	vst v63  }
0x1be: {  	_ =	swait.ge [sflag:s14], $0x4000  }
0x1bf: {  	[sflag:s14] =	ssyncset.done $0x0  }
0x1c0: {  	s20 =	rddreg [dreg:$0xc];
	[sflag:s14] =	ssyncadd.s32 $0xFFFFC000  }
0x1c1: {  	[hbm4b:s20+s2] =	stream.linear.scatter [tilespmem:s16], [sflag:$0x8], $0x4000, $0x38;
	[tilespmem:$0x1C200] =	vst v63  }
0x1c2: {  	s20 =	simm.s32 $0xD  }
0x1c3: {  	_ =	swait.ge [sflag:s20], $0x4000  }
0x1c4: {  	[sflag:s20] =	ssyncset.done $0x0  }
0x1c5: {  	[sflag:s20] =	ssyncadd.s32 $0xFFFFC000  }
0x1c6: {  	v3 =	vld [tilespmem:$0x180];
	_ =	sdelay $0x4  }
0x1c7: {  	v56 =	vshll.u32 v3, $0x2  }
0x1c8: {  	v3 =	vand.u32 $0x7, v3;
	v4 =	vand.u32 $0xFFFFFFE0, v56  }
0x1c9: {  	v3 =	vor.u32 v3, v4  }
0x1ca: {  	v4 =	vperm.xlane v3, v0;
	_ =	sdelay $0x1  }
0x1cb: {  	v4 =	vadd.s32 v1, v4;
	_ =	sdelay $0x1  }
0x1cc: {  	v3 =	vperm.xlane v3, v2;
	_ =	sdelay $0x1  }
0x1cd: {  	v3 =	vadd.s32 v1, v3  }
0x1ce: {  	[tilespmem:s3], [sflag:$0x6] =	stream.indirect_vreg.gather [hbm4b:s4+s2], $0x80, v4, vm0, $0xb8;
	[tilespmem:$0x1C200] =	vst v63  }
0x1cf: {  	s21 =	simm.s32 $0x14A00  }
0x1d0: {  	[tilespmem:s21], [sflag:$0x6] =	stream.indirect_vreg.gather [hbm4b:s5+s2], $0x80, v4, vm0, $0xb8;
	[tilespmem:$0x1C200] =	vst v63  }
0x1d1: {  	s21 =	simm.s32 $0x15200  }
0x1d2: {  	[tilespmem:s21], [sflag:$0x6] =	stream.indirect_vreg.gather [hbm4b:s4+s2], $0x80, v3, vm0, $0xb8;
	[tilespmem:$0x1C200] =	vst v63  }
0x1d3: {  	s21 =	simm.s32 $0x15A00  }
0x1d4: {  	[tilespmem:s21], [sflag:$0x6] =	stream.indirect_vreg.gather [hbm4b:s5+s2], $0x80, v3, vm0, $0xb8;
	[tilespmem:$0x1C200] =	vst v63  }
0x1d5: {  	v3 =	vld [tilespmem:$0x190];
	_ =	sdelay $0x4  }
0x1d6: {  	v57 =	vshll.u32 v3, $0x2  }
0x1d7: {  	v3 =	vand.u32 $0x7, v3;
	v4 =	vand.u32 $0xFFFFFFE0, v57  }
0x1d8: {  	v3 =	vor.u32 v3, v4  }
0x1d9: {  	v4 =	vperm.xlane v3, v0;
	_ =	sdelay $0x1  }
0x1da: {  	v4 =	vadd.s32 v1, v4;
	_ =	sdelay $0x1  }
0x1db: {  	v3 =	vperm.xlane v3, v2;
	_ =	sdelay $0x1  }
0x1dc: {  	s21 =	simm.s32 $0x16200;
	v3 =	vadd.s32 v1, v3  }
0x1dd: {  	[tilespmem:s21], [sflag:$0x6] =	stream.indirect_vreg.gather [hbm4b:s4+s2], $0x80, v4, vm0, $0xb8;
	[tilespmem:$0x1C200] =	vst v63  }
0x1de: {  	s21 =	simm.s32 $0x16A00  }
0x1df: {  	[tilespmem:s21], [sflag:$0x6] =	stream.indirect_vreg.gather [hbm4b:s5+s2], $0x80, v4, vm0, $0xb8;
	[tilespmem:$0x1C200] =	vst v63  }
0x1e0: {  	s21 =	simm.s32 $0x17200  }
0x1e1: {  	[tilespmem:s21], [sflag:$0x6] =	stream.indirect_vreg.gather [hbm4b:s4+s2], $0x80, v3, vm0, $0xb8;
	[tilespmem:$0x1C200] =	vst v63  }
0x1e2: {  	s21 =	simm.s32 $0x17A00  }
0x1e3: {  	[tilespmem:s21], [sflag:$0x6] =	stream.indirect_vreg.gather [hbm4b:s5+s2], $0x80, v3, vm0, $0xb8;
	[tilespmem:$0x1C200] =	vst v63  }
0x1e4: {  	_ =	swait.ge [sflag:s0], $0x4000  }
0x1e5: {  	[sflag:s0] =	ssyncset.done $0x0  }
0x1e6: {  	s21 =	rddreg [dreg:$0xd];
	[sflag:s0] =	ssyncadd.s32 $0xFFFFC000  }
0x1e7: {  	[hbm4b:s21+s2] =	stream.linear.scatter [tilespmem:s26], [sflag:$0x9], $0x4000, $0x38;
	[tilespmem:$0x1C200] =	vst v63  }
0x1e8: {  	s21 =	simm.s32 $0xE  }
0x1e9: {  	_ =	swait.ge [sflag:s21], $0x4000  }
0x1ea: {  	[sflag:s21] =	ssyncset.done $0x0  }
0x1eb: {  	[sflag:s21] =	ssyncadd.s32 $0xFFFFC000  }
0x1ec: {  	v3 =	vld [tilespmem:$0x1A0];
	_ =	sdelay $0x4  }
0x1ed: {  	v58 =	vshll.u32 v3, $0x2  }
0x1ee: {  	v3 =	vand.u32 $0x7, v3;
	v4 =	vand.u32 $0xFFFFFFE0, v58  }
0x1ef: {  	v3 =	vor.u32 v3, v4  }
0x1f0: {  	v4 =	vperm.xlane v3, v0;
	_ =	sdelay $0x1  }
0x1f1: {  	v4 =	vadd.s32 v1, v4;
	_ =	sdelay $0x1  }
0x1f2: {  	v3 =	vperm.xlane v3, v2;
	_ =	sdelay $0x1  }
0x1f3: {  	v3 =	vadd.s32 v1, v3  }
0x1f4: {  	[tilespmem:s1], [sflag:$0x7] =	stream.indirect_vreg.gather [hbm4b:s4+s2], $0x80, v4, vm0, $0xb8;
	[tilespmem:$0x1C200] =	vst v63  }
0x1f5: {  	s19 =	simm.s32 $0x18A00  }
0x1f6: {  	[tilespmem:s19], [sflag:$0x7] =	stream.indirect_vreg.gather [hbm4b:s5+s2], $0x80, v4, vm0, $0xb8;
	[tilespmem:$0x1C200] =	vst v63  }
0x1f7: {  	s19 =	simm.s32 $0x19200  }
0x1f8: {  	[tilespmem:s19], [sflag:$0x7] =	stream.indirect_vreg.gather [hbm4b:s4+s2], $0x80, v3, vm0, $0xb8;
	[tilespmem:$0x1C200] =	vst v63  }
0x1f9: {  	s19 =	simm.s32 $0x19A00  }
0x1fa: {  	[tilespmem:s19], [sflag:$0x7] =	stream.indirect_vreg.gather [hbm4b:s5+s2], $0x80, v3, vm0, $0xb8;
	[tilespmem:$0x1C200] =	vst v63  }
0x1fb: {  	v3 =	vld [tilespmem:$0x1B0];
	_ =	sdelay $0x4  }
0x1fc: {  	v59 =	vshll.u32 v3, $0x2  }
0x1fd: {  	v3 =	vand.u32 $0x7, v3;
	v4 =	vand.u32 $0xFFFFFFE0, v59  }
0x1fe: {  	v3 =	vor.u32 v3, v4  }
0x1ff: {  	v4 =	vperm.xlane v3, v0;
	_ =	sdelay $0x1  }
0x200: {  	v4 =	vadd.s32 v1, v4;
	_ =	sdelay $0x1  }
0x201: {  	v3 =	vperm.xlane v3, v2;
	_ =	sdelay $0x1  }
0x202: {  	s19 =	simm.s32 $0x1A200;
	v3 =	vadd.s32 v1, v3  }
0x203: {  	[tilespmem:s19], [sflag:$0x7] =	stream.indirect_vreg.gather [hbm4b:s4+s2], $0x80, v4, vm0, $0xb8;
	[tilespmem:$0x1C200] =	vst v63  }
0x204: {  	s19 =	simm.s32 $0x1AA00  }
0x205: {  	[tilespmem:s19], [sflag:$0x7] =	stream.indirect_vreg.gather [hbm4b:s5+s2], $0x80, v4, vm0, $0xb8;
	[tilespmem:$0x1C200] =	vst v63  }
0x206: {  	s19 =	simm.s32 $0x1B200  }
0x207: {  	[tilespmem:s19], [sflag:$0x7] =	stream.indirect_vreg.gather [hbm4b:s4+s2], $0x80, v3, vm0, $0xb8;
	[tilespmem:$0x1C200] =	vst v63  }
0x208: {  	s19 =	simm.s32 $0x1BA00  }
0x209: {  	[tilespmem:s19], [sflag:$0x7] =	stream.indirect_vreg.gather [hbm4b:s5+s2], $0x80, v3, vm0, $0xb8;
	[tilespmem:$0x1C200] =	vst v63  }
0x20a: {  	_ =	swait.ge [sflag:s30], $0x4000  }
0x20b: {  	[sflag:s30] =	ssyncset.done $0x0  }
0x20c: {  	s19 =	rddreg [dreg:$0xe];
	[sflag:s30] =	ssyncadd.s32 $0xFFFFC000  }
0x20d: {  	[hbm4b:s19+s2] =	stream.linear.scatter [tilespmem:s7], [sflag:$0xA], $0x4000, $0x38;
	[tilespmem:$0x1C200] =	vst v63  }
0x20e: {  	_ =	swait.ge [sflag:s29], $0x4000  }
0x20f: {  	[sflag:s29] =	ssyncset.done $0x0  }
0x210: {  	[sflag:s29] =	ssyncadd.s32 $0xFFFFC000  }
0x211: {  	v3 =	vld [tilespmem:$0x1C0];
	_ =	sdelay $0x4  }
0x212: {  	v60 =	vshll.u32 v3, $0x2  }
0x213: {  	v3 =	vand.u32 $0x7, v3;
	v4 =	vand.u32 $0xFFFFFFE0, v60  }
0x214: {  	v3 =	vor.u32 v3, v4  }
0x215: {  	v4 =	vperm.xlane v3, v0;
	_ =	sdelay $0x1  }
0x216: {  	v4 =	vadd.s32 v1, v4;
	_ =	sdelay $0x1  }
0x217: {  	v3 =	vperm.xlane v3, v2;
	_ =	sdelay $0x1  }
0x218: {  	v3 =	vadd.s32 v1, v3  }
0x219: {  	[tilespmem:s16], [sflag:$0x1] =	stream.indirect_vreg.gather [hbm4b:s4+s2], $0x80, v4, vm0, $0xb8;
	[tilespmem:$0x1C200] =	vst v63  }
0x21a: {  	s19 =	simm.s32 $0xA00  }
0x21b: {  	[tilespmem:s19], [sflag:$0x1] =	stream.indirect_vreg.gather [hbm4b:s5+s2], $0x80, v4, vm0, $0xb8;
	[tilespmem:$0x1C200] =	vst v63  }
0x21c: {  	s19 =	simm.s32 $0x1200  }
0x21d: {  	[tilespmem:s19], [sflag:$0x1] =	stream.indirect_vreg.gather [hbm4b:s4+s2], $0x80, v3, vm0, $0xb8;
	[tilespmem:$0x1C200] =	vst v63  }
0x21e: {  	s19 =	simm.s32 $0x1A00  }
0x21f: {  	[tilespmem:s19], [sflag:$0x1] =	stream.indirect_vreg.gather [hbm4b:s5+s2], $0x80, v3, vm0, $0xb8;
	[tilespmem:$0x1C200] =	vst v63  }
0x220: {  	v3 =	vld [tilespmem:$0x1D0];
	_ =	sdelay $0x4  }
0x221: {  	v61 =	vshll.u32 v3, $0x2  }
0x222: {  	v3 =	vand.u32 $0x7, v3;
	v4 =	vand.u32 $0xFFFFFFE0, v61  }
0x223: {  	v3 =	vor.u32 v3, v4  }
0x224: {  	v4 =	vperm.xlane v3, v0;
	_ =	sdelay $0x1  }
0x225: {  	v4 =	vadd.s32 v1, v4;
	_ =	sdelay $0x1  }
0x226: {  	v3 =	vperm.xlane v3, v2;
	_ =	sdelay $0x1  }
0x227: {  	s19 =	simm.s32 $0x2200;
	v3 =	vadd.s32 v1, v3  }
0x228: {  	[tilespmem:s19], [sflag:$0x1] =	stream.indirect_vreg.gather [hbm4b:s4+s2], $0x80, v4, vm0, $0xb8;
	[tilespmem:$0x1C200] =	vst v63  }
0x229: {  	s19 =	simm.s32 $0x2A00  }
0x22a: {  	[tilespmem:s19], [sflag:$0x1] =	stream.indirect_vreg.gather [hbm4b:s5+s2], $0x80, v4, vm0, $0xb8;
	[tilespmem:$0x1C200] =	vst v63  }
0x22b: {  	s19 =	simm.s32 $0x3200  }
0x22c: {  	[tilespmem:s19], [sflag:$0x1] =	stream.indirect_vreg.gather [hbm4b:s4+s2], $0x80, v3, vm0, $0xb8;
	[tilespmem:$0x1C200] =	vst v63  }
0x22d: {  	s19 =	simm.s32 $0x3A00  }
0x22e: {  	[tilespmem:s19], [sflag:$0x1] =	stream.indirect_vreg.gather [hbm4b:s5+s2], $0x80, v3, vm0, $0xb8;
	[tilespmem:$0x1C200] =	vst v63  }
0x22f: {  	_ =	swait.ge [sflag:s11], $0x4000  }
0x230: {  	[sflag:s11] =	ssyncset.done $0x0  }
0x231: {  	s7 =	rddreg [dreg:$0xf];
	[sflag:s11] =	ssyncadd.s32 $0xFFFFC000  }
0x232: {  	[hbm4b:s7+s2] =	stream.linear.scatter [tilespmem:s25], [sflag:$0xB], $0x4000, $0x38;
	[tilespmem:$0x1C200] =	vst v63  }
0x233: {  	_ =	swait.ge [sflag:s9], $0x4000  }
0x234: {  	[sflag:s9] =	ssyncset.done $0x0  }
0x235: {  	[sflag:s9] =	ssyncadd.s32 $0xFFFFC000  }
0x236: {  	v3 =	vld [tilespmem:$0x1E0];
	_ =	sdelay $0x4  }
0x237: {  	v62 =	vshll.u32 v3, $0x2  }
0x238: {  	v3 =	vand.u32 $0x7, v3;
	v4 =	vand.u32 $0xFFFFFFE0, v62  }
0x239: {  	v3 =	vor.u32 v3, v4  }
0x23a: {  	v4 =	vperm.xlane v3, v0;
	_ =	sdelay $0x1  }
0x23b: {  	v4 =	vadd.s32 v1, v4;
	_ =	sdelay $0x1  }
0x23c: {  	v3 =	vperm.xlane v3, v2;
	_ =	sdelay $0x1  }
0x23d: {  	v3 =	vadd.s32 v1, v3  }
0x23e: {  	[tilespmem:s26], [sflag:$0x2] =	stream.indirect_vreg.gather [hbm4b:s4+s2], $0x80, v4, vm0, $0xb8;
	[tilespmem:$0x1C200] =	vst v63  }
0x23f: {  	s19 =	simm.s32 $0x4A00  }
0x240: {  	[tilespmem:s19], [sflag:$0x2] =	stream.indirect_vreg.gather [hbm4b:s5+s2], $0x80, v4, vm0, $0xb8;
	[tilespmem:$0x1C200] =	vst v63  }
0x241: {  	s11 =	simm.s32 $0x5200  }
0x242: {  	[tilespmem:s11], [sflag:$0x2] =	stream.indirect_vreg.gather [hbm4b:s4+s2], $0x80, v3, vm0, $0xb8;
	[tilespmem:$0x1C200] =	vst v63  }
0x243: {  	s19 =	simm.s32 $0x5A00  }
0x244: {  	[tilespmem:s19], [sflag:$0x2] =	stream.indirect_vreg.gather [hbm4b:s5+s2], $0x80, v3, vm0, $0xb8;
	[tilespmem:$0x1C200] =	vst v63  }
0x245: {  	v3 =	vld [tilespmem:$0x1F0];
	_ =	sdelay $0x4  }
0x246: {  	v63 =	vshll.u32 v3, $0x2  }
0x247: {  	v3 =	vand.u32 $0x7, v3;
	v4 =	vand.u32 $0xFFFFFFE0, v63  }
0x248: {  	v3 =	vor.u32 v3, v4  }
0x249: {  	v4 =	vperm.xlane v3, v0;
	_ =	sdelay $0x1  }
0x24a: {  	v4 =	vadd.s32 v1, v4;
	_ =	sdelay $0x1  }
0x24b: {  	v3 =	vperm.xlane v3, v2;
	_ =	sdelay $0x1  }
0x24c: {  	s11 =	simm.s32 $0x6200;
	v3 =	vadd.s32 v1, v3  }
0x24d: {  	[tilespmem:s11], [sflag:$0x2] =	stream.indirect_vreg.gather [hbm4b:s4+s2], $0x80, v4, vm0, $0xb8;
	[tilespmem:$0x1C200] =	vst v63  }
0x24e: {  	s19 =	simm.s32 $0x6A00  }
0x24f: {  	[tilespmem:s19], [sflag:$0x2] =	stream.indirect_vreg.gather [hbm4b:s5+s2], $0x80, v4, vm0, $0xb8;
	[tilespmem:$0x1C200] =	vst v63  }
0x250: {  	s11 =	simm.s32 $0x7200  }
0x251: {  	[tilespmem:s11], [sflag:$0x2] =	stream.indirect_vreg.gather [hbm4b:s4+s2], $0x80, v3, vm0, $0xb8;
	[tilespmem:$0x1C200] =	vst v63  }
0x252: {  	s19 =	simm.s32 $0x7A00  }
0x253: {  	[tilespmem:s19], [sflag:$0x2] =	stream.indirect_vreg.gather [hbm4b:s5+s2], $0x80, v3, vm0, $0xb8;
	[tilespmem:$0x1C200] =	vst v63  }
0x254: {  	_ =	swait.ge [sflag:s12], $0x4000  }
0x255: {  	[sflag:s12] =	ssyncset.done $0x0  }
0x256: {  	s11 =	rddreg [dreg:$0x10];
	[sflag:s12] =	ssyncadd.s32 $0xFFFFC000  }
0x257: {  	[hbm4b:s11+s2] =	stream.linear.scatter [tilespmem:s17], [sflag:$0xC], $0x4000, $0x38;
	[tilespmem:$0x1C200] =	vst v63  }
0x258: {  	_ =	swait.ge [sflag:s8], $0x4000  }
0x259: {  	[sflag:s8] =	ssyncset.done $0x0  }
0x25a: {  	s7 =	rddreg [dreg:$0x11];
	[sflag:s8] =	ssyncadd.s32 $0xFFFFC000  }
0x25b: {  	[hbm4b:s7+s2] =	stream.linear.scatter [tilespmem:s3], [sflag:$0xD], $0x4000, $0x38;
	[tilespmem:$0x1C200] =	vst v63  }
0x25c: {  	_ =	swait.ge [sflag:s15], $0x4000  }
0x25d: {  	[sflag:s15] =	ssyncset.done $0x0  }
0x25e: {  	s11 =	rddreg [dreg:$0x12];
	[sflag:s15] =	ssyncadd.s32 $0xFFFFC000  }
0x25f: {  	[hbm4b:s11+s2] =	stream.linear.scatter [tilespmem:s1], [sflag:$0xE], $0x4000, $0x38;
	[tilespmem:$0x1C200] =	vst v63  }
0x260: {  	_ =	swait.ge [sflag:s14], $0x4000  }
0x261: {  	[sflag:s14] =	ssyncset.done $0x0  }
0x262: {  	s12 =	rddreg [dreg:$0x13];
	[sflag:s14] =	ssyncadd.s32 $0xFFFFC000  }
0x263: {  	[hbm4b:s12+s2] =	stream.linear.scatter [tilespmem:s16], [sflag:$0x8], $0x4000, $0x38;
	[tilespmem:$0x1C200] =	vst v63  }
0x264: {  	_ =	swait.ge [sflag:s0], $0x4000  }
0x265: {  	[sflag:s0] =	ssyncset.done $0x0  }
0x266: {  	s15 =	rddreg [dreg:$0x14];
	[sflag:s0] =	ssyncadd.s32 $0xFFFFC000  }
0x267: {  	[hbm4b:s15+s2] =	stream.linear.scatter [tilespmem:s26], [sflag:$0x9], $0x4000, $0x38;
	[tilespmem:$0x1C200] =	vst v63  }
0x268: {  	_ =	swait.ge [sflag:s13], $0x4000  }
0x269: {  	[sflag:s13] =	ssyncset.done $0x0  }
0x26a: {  	[sflag:s13] =	ssyncadd.s32 $0xFFFFC000  }
0x26b: {  	_ =	swait.ge [sflag:s10], $0x4000  }
0x26c: {  	[sflag:s10] =	ssyncset.done $0x0  }
0x26d: {  	[sflag:s10] =	ssyncadd.s32 $0xFFFFC000  }
0x26e: {  	_ =	swait.ge [sflag:s18], $0x4000  }
0x26f: {  	[sflag:s18] =	ssyncset.done $0x0  }
0x270: {  	[sflag:s18] =	ssyncadd.s32 $0xFFFFC000  }
0x271: {  	_ =	swait.ge [sflag:s20], $0x4000  }
0x272: {  	[sflag:s20] =	ssyncset.done $0x0  }
0x273: {  	[sflag:s20] =	ssyncadd.s32 $0xFFFFC000  }
0x274: {  	_ =	swait.ge [sflag:s21], $0x4000  }
0x275: {  	[sflag:s21] =	ssyncset.done $0x0  }
0x276: {  	[sflag:s21] =	ssyncadd.s32 $0xFFFFC000  }
0x277: {  	p0 =	sne.s32 s6, $0x1;
	_ =	swait.ge [sflag:s29], $0x4000  }
.Ltmp0:
0x278: {  	[sflag:s29] =	ssyncset.done $0x0;
	(pc) =	sbr.rel @p0 .LBB2_1-.Ltmp0, $4  }
0x279: {  	[sflag:s29] =	ssyncadd.s32 $0xFFFFC000  }
0x27a: {  	_ =	swait.ge [sflag:s9], $0x4000  }
0x27b: {  	[sflag:s9] =	ssyncset.done $0x0  }
0x27c: {  	s6 =	sadd.s32 $0xFFFFFFFF, s6;
	[sflag:s9] =	ssyncadd.s32 $0xFFFFC000  }
0x27d: {  	_ =	sfence.sel $0x180000  }
0x27e: {  	[bflag:$0x0] =	sbarrier.arrive $0xFFFF  }
0x27f: {  	_ =	strace $0x90000047  }
0x280: {  	s0 =	stileid.u32;
	[bflag:$0x2] =	sbarrier.arrive $0xFFFF  }
0x281: {  	p0 =	sne.s32 s0, $0x0;
	s0 =	rddreg [dreg:$0x3]  }
0x282: {  	s0 =	sadd.s32 @!p0 $0x100000, s0  }
0x283: {  	[sflag:s0] =	ssyncadd.tile.s32 @!p0 $0x1;
	_ =	shalt  }
.Lfunc_end2:
_tile_overlayer_lowered:
.L_overlay_start_2:
0x284: {  	(tag) =	ssettag $0x2  }
0x285: {  	s0 =	rddreg [dreg:$0x0];
	s2 =	stileid.u32  }
0x286: {  	s1 =	rddreg [dreg:$0x1];
	p0 =	sne.s32 s2, $0x0  }
0x287: {  	s3 =	rddreg [dreg:$0x2];
	[bflag:$0x3] =	sbarrier.arrive $0xFFFF;
	s2 =	simm.s32 @!p0 $0x1C11  }
0x288: {  	[timem:s3], [sflag:s2] =	dma.local @!p0 [hbm:s0], s1  }
0x289: {  	s0 =	simm.s32 @!p0 $0x11  }
0x28a: {  	_ =	swait.ge @!p0 [sflag:s0], s1  }
0x28b: {  	s1 =	ssub.s32 @!p0 $0x0, s1;
	[sflag:s0] =	ssyncset.done @!p0 $0x0  }
0x28c: {  	[sflag:s0] =	ssyncadd.s32 @!p0 s1  }
0x28d: {  	[bflag:$0x3] =	sbarrier.arrive $0xFFFF  }
0x28e: {  	_ =	shalt  }

</sc_bundles>
